<compile_context>
chip_gen: v7x
topology: tpu7x:2x2x1
jax: 0.10.2.dev20260603
libtpu: 0.0.44.dev20260713+nightly
codegen_flags: <defaults>
</compile_context>

<pallas_src>
import functools
import math

import numpy as np
import jax
import jax.numpy as jnp
from jax.experimental import pallas as pl
from jax.experimental.pallas import tpu as pltpu
from jax.experimental.pallas import tpu_sc as plsc

L = 2048
S = 2720
P = 3072
D = 768
H = 12
DK = 64
EPS = 1e-5


def _pe_np():
    position = np.arange(L, dtype=np.float32)[:, None]
    div = np.exp(np.arange(0, D, 2, dtype=np.float32) * -(math.log(10000.0) / D))
    pe = np.zeros((L, D), dtype=np.float32)
    pe[:, 0::2] = np.sin(position * div)
    pe[:, 1::2] = np.cos(position * div)
    return pe


_PE = _pe_np()


def _elu(x):
    return jnp.where(x > 0, x, jnp.exp(jnp.minimum(x, 0.0)) - 1.0)


def _ln_rows(x):
    m = jnp.mean(x, axis=-1, keepdims=True)
    v = jnp.mean((x - m) * (x - m), axis=-1, keepdims=True)
    return (x - m) * jax.lax.rsqrt(v + EPS)



def _embed_kernel(xemb_ref, wemb_ref, bemb_ref, pe_ref, dw_ref, db_ref,
                  cw0_ref, cb0_ref, cw1_ref, cb1_ref, cw2_ref, cb2_ref,
                  uw_ref, ub_ref, wq_ref, wk_ref, wv_ref,
                  bq_ref, bk_ref, bv_ref, out_ref, q_ref, k_ref, v_ref):
    seq = jnp.dot(xemb_ref[...], wemb_ref[...], preferred_element_type=jnp.float32)
    seq = seq + bemb_ref[...] + pe_ref[...]
    tmp = jnp.dot(seq, dw_ref[...], preferred_element_type=jnp.float32) + db_ref[...]
    o1 = _elu(jnp.dot(tmp.reshape(512, 512), cw0_ref[...],
                      preferred_element_type=jnp.float32) + cb0_ref[...])
    o2 = _elu(jnp.dot(o1.reshape(128, 512), cw1_ref[...],
                      preferred_element_type=jnp.float32) + cb1_ref[...])
    o3 = _elu(jnp.dot(o2.reshape(32, 512), cw2_ref[...],
                      preferred_element_type=jnp.float32) + cb2_ref[...])
    allin = jnp.concatenate([o1, o2, o3], axis=0)
    allin = jnp.dot(allin, uw_ref[...], preferred_element_type=jnp.float32) + ub_ref[...]
    full = jnp.concatenate([seq, allin], axis=0)
    sfull = _ln_rows(full)
    out_ref[0:S, :] = sfull
    out_ref[S:P, :] = jnp.zeros((P - S, D), jnp.float32)
    bf16 = jnp.bfloat16
    sb = sfull.astype(bf16)
    qv = jnp.dot(sb, wq_ref[...], preferred_element_type=jnp.float32) + bq_ref[...]
    q_ref[0:S, :] = (qv * (1.0 / 8.0)).astype(bf16)
    q_ref[S:P, :] = jnp.zeros((P - S, D), bf16)
    k_ref[0:8, :] = jnp.zeros((8, D), bf16)
    k_ref[8:8 + S, :] = (jnp.dot(sb, wk_ref[...], preferred_element_type=jnp.float32)
                         + bk_ref[...]).astype(bf16)
    k_ref[8 + S:P + 8, :] = jnp.zeros((P - S, D), bf16)
    v_ref[0:8, :] = jnp.zeros((8, D), bf16)
    v_ref[8:8 + S, :] = (jnp.dot(sb, wv_ref[...], preferred_element_type=jnp.float32)
                         + bv_ref[...]).astype(bf16)
    v_ref[8 + S:P + 8, :] = jnp.zeros((P - S, D), bf16)



def _ffn_kernel(x_ref, w1_ref, b1_ref, w2_ref, b2_ref, out_ref):
    x = x_ref[...]
    h = jax.nn.gelu(jnp.dot(x.astype(jnp.bfloat16), w1_ref[...],
                            preferred_element_type=jnp.float32) + b1_ref[...])
    y = jnp.dot(h.astype(jnp.bfloat16), w2_ref[...],
                preferred_element_type=jnp.float32) + b2_ref[...] + x
    out_ref[...] = _ln_rows(y)


def _ffn_qkv_kernel(x_ref, w1_ref, b1_ref, w2_ref, b2_ref,
                    wq_ref, wk_ref, wv_ref, bq_ref, bk_ref, bv_ref,
                    out_ref, q_ref, k_ref, v_ref):
    bf16 = jnp.bfloat16
    x = x_ref[...]
    h = jax.nn.gelu(jnp.dot(x.astype(bf16), w1_ref[...],
                            preferred_element_type=jnp.float32) + b1_ref[...])
    y = _ln_rows(jnp.dot(h.astype(bf16), w2_ref[...],
                         preferred_element_type=jnp.float32) + b2_ref[...] + x)
    out_ref[...] = y
    yb = y.astype(bf16)
    qv = jnp.dot(yb, wq_ref[...], preferred_element_type=jnp.float32) + bq_ref[...]
    q_ref[...] = (qv * (1.0 / 8.0)).astype(bf16)
    k_ref[...] = (jnp.dot(yb, wk_ref[...], preferred_element_type=jnp.float32)
                  + bk_ref[...]).astype(bf16)
    v_ref[...] = (jnp.dot(yb, wv_ref[...], preferred_element_type=jnp.float32)
                  + bv_ref[...]).astype(bf16)



def _hsel(trans=False):
    f32 = jnp.float32
    if trans:
        a = jax.lax.broadcasted_iota(jnp.int32, (H, D), 0)
        b = jax.lax.broadcasted_iota(jnp.int32, (H, D), 1) // DK
    else:
        a = jax.lax.broadcasted_iota(jnp.int32, (D, H), 0) // DK
        b = jax.lax.broadcasted_iota(jnp.int32, (D, H), 1)
    return (a == b).astype(f32)


def _soft_av(svals, vlist):
    f32 = jnp.float32
    et = _hsel(trans=True)
    m = functools.reduce(jnp.maximum, svals)
    es = [jnp.exp(s - m) for s in svals]
    z = functools.reduce(jnp.add, es)
    acc = None
    for e, vv in zip(es, vlist):
        p = jnp.dot(e / z, et, preferred_element_type=f32)
        acc = p * vv if acc is None else acc + p * vv
    return acc


def _post_ln(acc, res_ref, wo_ref, bo_ref, o_ref):
    y = jnp.dot(acc.astype(jnp.bfloat16), wo_ref[...],
                preferred_element_type=jnp.float32)
    o_ref[...] = _ln_rows(y + bo_ref[...] + res_ref[...])


def _attn_kernel(q_ref, k_ref, v_ref, res_ref, wo_ref, bo_ref, o_ref):
    f32 = jnp.float32
    i = pl.program_id(0)
    qs = pl.multiple_of(i * 128, 8)
    ps = pl.multiple_of(2048 + 32 * i + 8, 8)
    ls = jnp.where(i < 16, 0, jnp.where(i < 20, 2048, jnp.where(i < 21, 2560, 2688)))
    le = jnp.where(i < 16, 2048, jnp.where(i < 20, 2560, jnp.where(i < 21, 2688, 2720)))
    hasp = i != 21
    clen = jnp.where(i < 21, 512, 128)
    q = q_ref[...].astype(f32)
    kb = k_ref[pl.ds(qs, 144), :]
    vb = v_ref[pl.ds(qs, 144), :]
    kp4 = jnp.repeat(k_ref[pl.ds(ps, 32), :], 4, axis=0).astype(f32)
    vp4 = jnp.repeat(v_ref[pl.ds(ps, 32), :], 4, axis=0).astype(f32)
    e_ = _hsel()
    rows = jax.lax.broadcasted_iota(jnp.int32, (128, 1), 0) + qs
    rloc = jax.lax.broadcasted_iota(jnp.int32, (128, 1), 0)
    svals, vlist = [], []
    for d in range(-2, 3):
        kd = kb[8 + d:136 + d, :].astype(f32)
        s = jnp.dot(q * kd, e_, preferred_element_type=f32)
        ok = (rows + d >= ls) & (rows + d < le)
        svals.append(jnp.where(ok, s, -1e9))
        vlist.append(vb[8 + d:136 + d, :].astype(f32))
    sp = jnp.dot(q * kp4, e_, preferred_element_type=f32)
    svals.append(jnp.where(hasp, sp, -1e9))
    vlist.append(vp4)

    @pl.when(i < 16)
    def _():
        _post_ln(_soft_av(svals, vlist), res_ref, wo_ref, bo_ref, o_ref)

    @pl.when(i >= 16)
    def _():
        csb = pl.multiple_of(jnp.maximum(512 * i - 8192, 0) + 8, 8)
        kc4 = k_ref[pl.ds(csb, 512), :].reshape(128, 4 * D)
        vc4 = v_ref[pl.ds(csb, 512), :].reshape(128, 4 * D)
        sv2 = list(svals)
        vl2 = list(vlist)
        for r in range(4):
            kcr = kc4[:, r * D:(r + 1) * D].astype(f32)
            s = jnp.dot(q * kcr, e_, preferred_element_type=f32)
            ok = 4 * rloc + r < clen
            sv2.append(jnp.where(ok, s, -1e9))
            vl2.append(vc4[:, r * D:(r + 1) * D].astype(f32))
        _post_ln(_soft_av(sv2, vl2), res_ref, wo_ref, bo_ref, o_ref)



_IDXF = np.stack([np.arange(L),
                  2048 + np.arange(L) // 4,
                  2560 + np.arange(L) // 16,
                  2688 + np.arange(L) // 64], axis=1).reshape(-1).astype(np.int32)


def _sc_gather_kernel(table_hbm, idx_hbm, out_hbm, idx_v, rows_v, sem):
    wid = jax.lax.axis_index("s") * 2 + jax.lax.axis_index("c")
    for c in range(4):
        base = wid * 256 + c * 64
        pltpu.sync_copy(idx_hbm.at[pl.ds(base, 64)], idx_v)
        pltpu.async_copy(table_hbm.at[idx_v], rows_v, sem).wait()
        pltpu.sync_copy(rows_v, out_hbm.at[pl.ds(base, 64)])


def _gather_kernel(s0_ref, s1_ref, s2_ref, s3_ref, out_ref):
    out_ref[:, 0 * D:1 * D] = s0_ref[...]
    out_ref[:, 1 * D:2 * D] = jnp.repeat(s1_ref[...], 4, axis=0)
    out_ref[:, 2 * D:3 * D] = jnp.repeat(s2_ref[...], 16, axis=0)
    out_ref[:, 3 * D:4 * D] = jnp.repeat(s3_ref[...], 64, axis=0)



def kernel(x_enc, x_mark_enc, conv_w, conv_b, w_temp, b_temp, down_w, down_b,
           convs_w, convs_b, up_w, up_b, wq, bq, wk, bk, wv, bv, wo, bo,
           w1, b1, w2, b2):
    f32 = jnp.float32
    bf16 = jnp.bfloat16
    x = x_enc[0]
    xm = x_mark_enc[0]
    xcat = jnp.concatenate(
        [jnp.roll(x, 1, axis=0), x, jnp.roll(x, -1, axis=0), xm], axis=1)
    xemb = jnp.pad(xcat, ((0, 0), (0, 128 - 25)))
    wemb = jnp.pad(jnp.concatenate([conv_w.reshape(21, D), w_temp], axis=0),
                   ((0, 128 - 25), (0, 0)))
    bemb = (conv_b + b_temp)[None]
    pe = jnp.asarray(_PE)
    cw = [convs_w[i].reshape(512, 128) for i in range(3)]
    cb = [convs_b[i][None] for i in range(3)]

    row_spec = pl.BlockSpec((512, D), lambda i: (i, 0))
    w_spec = pl.BlockSpec((D, D), lambda i: (0, 0))
    b_spec = pl.BlockSpec((1, D), lambda i: (0, 0))
    full_kv = pl.BlockSpec((P + 8, D), lambda i: (0, 0))

    wqb = [wq[l].astype(bf16) for l in range(2)]
    wkb = [wk[l].astype(bf16) for l in range(2)]
    wvb = [wv[l].astype(bf16) for l in range(2)]
    wob = [wo[l].astype(bf16) for l in range(2)]

    seq, q, k2, v2 = pl.pallas_call(
        _embed_kernel,
        out_shape=[jax.ShapeDtypeStruct((P, D), f32),
                   jax.ShapeDtypeStruct((P, D), bf16),
                   jax.ShapeDtypeStruct((P + 8, D), bf16),
                   jax.ShapeDtypeStruct((P + 8, D), bf16)],
    )(xemb, wemb, bemb, pe, down_w, down_b[None],
      cw[0], cb[0], cw[1], cb[1], cw[2], cb[2], up_w, up_b[None],
      wqb[0], wkb[0], wvb[0], bq[0][None], bk[0][None], bv[0][None])

    for l in range(2):
        seq = pl.pallas_call(
            _attn_kernel,
            grid=(22,),
            in_specs=[pl.BlockSpec((128, D), lambda i: (i, 0)), full_kv, full_kv,
                      pl.BlockSpec((128, D), lambda i: (i, 0)), w_spec, b_spec],
            out_specs=pl.BlockSpec((128, D), lambda i: (i, 0)),
            out_shape=jax.ShapeDtypeStruct((P, D), f32),
            input_output_aliases={3: 0},
        )(q, k2, v2, seq, wob[l], bo[l][None])

        if l == 0:
            seq, q, k, v = pl.pallas_call(
                _ffn_qkv_kernel,
                grid=(P // 512,),
                in_specs=[row_spec,
                          pl.BlockSpec((D, 2048), lambda i: (0, 0)),
                          pl.BlockSpec((1, 2048), lambda i: (0, 0)),
                          pl.BlockSpec((2048, D), lambda i: (0, 0)),
                          b_spec, w_spec, w_spec, w_spec,
                          b_spec, b_spec, b_spec],
                out_specs=[row_spec, row_spec, row_spec, row_spec],
                out_shape=[jax.ShapeDtypeStruct((P, D), f32),
                           jax.ShapeDtypeStruct((P, D), bf16),
                           jax.ShapeDtypeStruct((P, D), bf16),
                           jax.ShapeDtypeStruct((P, D), bf16)],
            )(seq, w1[0].astype(bf16), b1[0][None], w2[0].astype(bf16), b2[0][None],
              wqb[1], wkb[1], wvb[1], bq[1][None], bk[1][None], bv[1][None])
            zero8 = jnp.zeros((8, D), bf16)
            k2 = jnp.concatenate([zero8, k], axis=0)
            v2 = jnp.concatenate([zero8, v], axis=0)
        else:
            seq = pl.pallas_call(
                _ffn_kernel,
                grid=(P // 512,),
                in_specs=[row_spec,
                          pl.BlockSpec((D, 2048), lambda i: (0, 0)),
                          pl.BlockSpec((1, 2048), lambda i: (0, 0)),
                          pl.BlockSpec((2048, D), lambda i: (0, 0)),
                          b_spec],
                out_specs=row_spec,
                out_shape=jax.ShapeDtypeStruct((P, D), f32),
            )(seq, w1[1].astype(bf16), b1[1][None], w2[1].astype(bf16), b2[1][None])

    sc_gather = functools.partial(
        pl.kernel, mesh=plsc.VectorSubcoreMesh(core_axis_name="c",
                                               subcore_axis_name="s"),
        out_type=jax.ShapeDtypeStruct((4 * L, D), f32),
        scratch_types=[pltpu.VMEM((64,), jnp.int32),
                       pltpu.VMEM((64, D), f32),
                       pltpu.SemaphoreType.DMA],
    )(_sc_gather_kernel)
    out = sc_gather(seq, jnp.asarray(_IDXF))
    return out.reshape(1, L, 4 * D)

# --- scband reference (transcript-rebuilt; emitter-appended) ---
"""Pipeline reference for scband-encoder-49658411876524 (READ-ONLY COPY).

The authoritative reference and input builder live on the scoring server;
editing this copy changes nothing except your own understanding.
"""

import jax, jax.numpy as jnp
import numpy as np
import math

INPUT_SIZE = 2048
WINDOW = [4, 4, 4]
INNER = 5
D_MODEL = 768
N_HEAD = 12
D_K = 64
D_FF = 2048
N_LAYER = 2
D_BN = 128
C_IN = 7
EPS = 1e-5


def _get_mask(input_size, window_size, inner_size):
    all_size = [input_size]
    for w in window_size:
        all_size.append(all_size[-1] // w)
    S = sum(all_size)
    mask = np.zeros((S, S), dtype=np.float32)
    iw = inner_size // 2
    for li in range(len(all_size)):
        start = sum(all_size[:li])
        for i in range(start, start + all_size[li]):
            l = max(i - iw, start)
            r = min(i + iw + 1, start + all_size[li])
            mask[i, l:r] = 1
    for li in range(1, len(all_size)):
        start = sum(all_size[:li])
        for i in range(start, start + all_size[li]):
            l = start - all_size[li - 1] + (i - start) * window_size[li - 1]
            if i == start + all_size[li] - 1:
                r = start
            else:
                r = start - all_size[li - 1] + (i - start + 1) * window_size[li - 1]
            mask[i, l:r] = 1
            mask[l:r, i] = 1
    return (mask < 0.5), all_size


def _refer_points(all_sizes, window_size):
    input_size = all_sizes[0]
    idx = np.zeros((input_size, len(all_sizes)), dtype=np.int64)
    for i in range(input_size):
        idx[i, 0] = i
        former = i
        for j in range(1, len(all_sizes)):
            start = sum(all_sizes[:j])
            inner = former - (start - all_sizes[j - 1])
            former = start + min(inner // window_size[j - 1], all_sizes[j] - 1)
            idx[i, j] = former
    return idx


_MASK_NP, _ALL_SIZE = _get_mask(INPUT_SIZE, WINDOW, INNER)
_IDX_NP = _refer_points(_ALL_SIZE, WINDOW).reshape(-1)


def _pos_emb(L, d_model):
    position = np.arange(L, dtype=np.float32)[:, None]
    div = np.exp(np.arange(0, d_model, 2, dtype=np.float32) * -(math.log(10000.0) / d_model))
    pe = np.zeros((L, d_model), dtype=np.float32)
    pe[:, 0::2] = np.sin(position * div)
    pe[:, 1::2] = np.cos(position * div)
    return pe


_PE_NP = _pos_emb(INPUT_SIZE, D_MODEL)


def _ln(x):
    m = jnp.mean(x, axis=-1, keepdims=True)
    v = jnp.var(x, axis=-1, keepdims=True)
    return (x - m) / jnp.sqrt(v + EPS)


def _conv1d(x, w, stride):
    return jax.lax.conv_general_dilated(x, w, (stride,), 'VALID', dimension_numbers=('NWC', 'WIO', 'NWC'))


def _forward(x_enc, x_mark_enc, conv_w, conv_b, w_temp, b_temp, down_w, down_b,
             convs_w, convs_b, up_w, up_b, wq, bq, wk, bk, wv, bv, wo, bo, w1, b1, w2, b2):
    B, L, _ = x_enc.shape
    # DataEmbedding: circular conv token embedding + sinusoidal PE + time-feature linear
    xp = jnp.concatenate([x_enc[:, -1:, :], x_enc, x_enc[:, :1, :]], axis=1)
    val = _conv1d(xp, conv_w, 1) + conv_b
    pe = jnp.asarray(_PE_NP[:L])[None]
    temp = x_mark_enc @ w_temp + b_temp
    seq = val + pe + temp
    # Bottleneck_Construct: build coarse pyramid levels via strided convs
    tmp = seq @ down_w + down_b
    outs = []
    for i in range(len(WINDOW)):
        tmp = jax.nn.elu(_conv1d(tmp, convs_w[i], WINDOW[i]) + convs_b[i])
        outs.append(tmp)
    allin = jnp.concatenate(outs, axis=1) @ up_w + up_b
    seq = _ln(jnp.concatenate([seq, allin], axis=1))
    mask = jnp.asarray(_MASK_NP)
    S = seq.shape[1]
    for l in range(N_LAYER):
        residual = seq
        q = (seq @ wq[l] + bq[l]).reshape(B, S, N_HEAD, D_K).transpose(0, 2, 1, 3)
        k = (seq @ wk[l] + bk[l]).reshape(B, S, N_HEAD, D_K).transpose(0, 2, 1, 3)
        v = (seq @ wv[l] + bv[l]).reshape(B, S, N_HEAD, D_K).transpose(0, 2, 1, 3)
        attn = jnp.einsum('bhid,bhjd->bhij', q, k) / math.sqrt(D_K)
        attn = jnp.where(mask[None, None], -1e9, attn)
        attn = jax.nn.softmax(attn, axis=-1)
        out = jnp.einsum('bhij,bhjd->bhid', attn, v).transpose(0, 2, 1, 3).reshape(B, S, N_HEAD * D_K)
        seq = _ln(out @ wo[l] + bo[l] + residual)
        residual = seq
        h = jax.nn.gelu(seq @ w1[l] + b1[l])
        seq = _ln(h @ w2[l] + b2[l] + residual)
    # FC decoder path: gather pyramid features for each fine-scale position
    gathered = jnp.take(seq, jnp.asarray(_IDX_NP), axis=1)
    return gathered.reshape(B, L, len(_ALL_SIZE) * D_MODEL)


def setup_inputs(seed: int = 0):
    key = jax.random.key(seed)
    ks = jax.random.split(key, 16)
    s = 0.02
    HD = N_HEAD * D_K

    def nrm(k, shape):
        return jax.random.normal(k, shape, dtype=jnp.float32) * s

    return {
        'x_enc': jax.random.normal(ks[0], (1, INPUT_SIZE, C_IN), dtype=jnp.float32),
        'x_mark_enc': jax.random.normal(ks[1], (1, INPUT_SIZE, 4), dtype=jnp.float32),
        'conv_w': nrm(ks[2], (3, C_IN, D_MODEL)),
        'conv_b': jnp.zeros((D_MODEL,), jnp.float32),
        'w_temp': nrm(ks[3], (4, D_MODEL)),
        'b_temp': jnp.zeros((D_MODEL,), jnp.float32),
        'down_w': nrm(ks[4], (D_MODEL, D_BN)),
        'down_b': jnp.zeros((D_BN,), jnp.float32),
        'convs_w': nrm(ks[5], (3, WINDOW[0], D_BN, D_BN)),
        'convs_b': jnp.zeros((3, D_BN), jnp.float32),
        'up_w': nrm(ks[6], (D_BN, D_MODEL)),
        'up_b': jnp.zeros((D_MODEL,), jnp.float32),
        'wq': nrm(ks[7], (N_LAYER, D_MODEL, HD)),
        'bq': jnp.zeros((N_LAYER, HD), jnp.float32),
        'wk': nrm(ks[8], (N_LAYER, D_MODEL, HD)),
        'bk': jnp.zeros((N_LAYER, HD), jnp.float32),
        'wv': nrm(ks[9], (N_LAYER, D_MODEL, HD)),
        'bv': jnp.zeros((N_LAYER, HD), jnp.float32),
        'wo': nrm(ks[10], (N_LAYER, HD, D_MODEL)),
        'bo': jnp.zeros((N_LAYER, D_MODEL), jnp.float32),
        'w1': nrm(ks[11], (N_LAYER, D_MODEL, D_FF)),
        'b1': jnp.zeros((N_LAYER, D_FF), jnp.float32),
        'w2': nrm(ks[12], (N_LAYER, D_FF, D_MODEL)),
        'b2': jnp.zeros((N_LAYER, D_MODEL), jnp.float32),
    }


def reference(x_enc, x_mark_enc, conv_w, conv_b, w_temp, b_temp, down_w, down_b,
              convs_w, convs_b, up_w, up_b, wq, bq, wk, bk, wv, bv, wo, bo, w1, b1, w2, b2):
    return _forward(x_enc, x_mark_enc, conv_w, conv_b, w_temp, b_temp, down_w, down_b,
                    convs_w, convs_b, up_w, up_b, wq, bq, wk, bk, wv, bv, wo, bo, w1, b1, w2, b2)

if __name__ == "__main__":
    import jax
    _d = setup_inputs()
    print(jax.jit(kernel)(*tuple(_d.values())))

</pallas_src>

<mosaic_0001>
#map = affine_map<(d0, d1) -> (0, 0)>
#map1 = affine_map<(d0, d1) -> (0)>
module attributes {stable_mosaic.version = 14 : i64} {
  func.func @_sc_gather_kernel(%arg0: i32, %arg1: i32, %arg2: memref<3072x768xf32, #tpu.memory_space<hbm>>, %arg3: memref<8192xi32, #tpu.memory_space<hbm>>, %arg4: memref<8192x768xf32, #tpu.memory_space<hbm>>, %arg5: memref<64xi32, #tpu.memory_space<vmem>>, %arg6: memref<64x768xf32, #tpu.memory_space<vmem>>, %arg7: memref<!tpu.dma_semaphore, #tpu.memory_space<semaphore_mem>>) attributes {dimension_semantics = [#tpu.dimension_semantics<core_parallel>, #tpu.dimension_semantics<subcore_parallel>], iteration_bounds = array<i64: 2, 16>, scalar_prefetch = 0 : i64, scratch_operands = 3 : i64, tpu.core_type = #tpu.core_type<sc_vector_subcore>, window_params = [{transform_indices = #map}, {transform_indices = #map1}, {transform_indices = #map}]} {
    %mul3A = arith.constant 2 : i32
    %mul3A_0 = arith.muli %arg1, %mul3A : i32
    %add3A = arith.addi %mul3A_0, %arg0 : i32
    %mul3A_1 = arith.constant 256 : i32
    %mul3A_2 = arith.muli %add3A, %mul3A_1 : i32
    %add3A_3 = arith.constant 0 : i32
    %add3A_4 = arith.addi %mul3A_2, %add3A_3 : i32
    "tpu.region"() ({
      %run_scoped3A = tpu.sem_alloc : memref<!tpu.dma_semaphore, #tpu.memory_space<semaphore_mem>>
      %dma_start3A_39 = tpu.memref_slice %arg3[%add3A_4] : memref<8192xi32, #tpu.memory_space<hbm>> -> memref<64xi32, #tpu.memory_space<hbm>>
      %dma_start3A_40 = tpu.memref_slice %arg3[%add3A_4] : memref<8192xi32, #tpu.memory_space<hbm>> -> memref<64xi32, #tpu.memory_space<hbm>>
      tpu.enqueue_dma source(%dma_start3A_40 : memref<64xi32, #tpu.memory_space<hbm>>) target(%arg5 : memref<64xi32, #tpu.memory_space<vmem>>) target_semaphore(%run_scoped3A : memref<!tpu.dma_semaphore, #tpu.memory_space<semaphore_mem>>)
      %dma_wait3A_41 = tpu.memref_slice %arg3[%add3A_4] : memref<8192xi32, #tpu.memory_space<hbm>> -> memref<64xi32, #tpu.memory_space<hbm>>
      %dma_wait3A_42 = tpu.memref_slice %arg3[%add3A_4] : memref<8192xi32, #tpu.memory_space<hbm>> -> memref<64xi32, #tpu.memory_space<hbm>>
      tpu.wait_dma2 semaphore(%run_scoped3A : memref<!tpu.dma_semaphore, #tpu.memory_space<semaphore_mem>>) src(%dma_wait3A_42 : memref<64xi32, #tpu.memory_space<hbm>>) dst(%arg5 : memref<64xi32, #tpu.memory_space<vmem>>)
      tpu.yield
    }) : () -> ()
    %dma_start3A = arith.constant 0 : i32
    %dma_start3A_5 = arith.constant 0 : i32
    %dma_start3A_6 = tpu.memref_slice %arg2[%dma_start3A, %dma_start3A_5] : memref<3072x768xf32, #tpu.memory_space<hbm>> -> memref<3072x768xf32, #tpu.memory_space<hbm>>
    tpu.enqueue_indirect_dma source(%dma_start3A_6 : memref<3072x768xf32, #tpu.memory_space<hbm>>) target(%arg6 : memref<64x768xf32, #tpu.memory_space<vmem>>) offsets(%arg5 : memref<64xi32, #tpu.memory_space<vmem>>) semaphore(%arg7 : memref<!tpu.dma_semaphore, #tpu.memory_space<semaphore_mem>>)
    %dma_wait3A = arith.constant 0 : i32
    %dma_wait3A_7 = arith.constant 0 : i32
    %dma_wait3A_8 = tpu.memref_slice %arg2[%dma_wait3A, %dma_wait3A_7] : memref<3072x768xf32, #tpu.memory_space<hbm>> -> memref<3072x768xf32, #tpu.memory_space<hbm>>
    tpu.wait_indirect_dma semaphore(%arg7 : memref<!tpu.dma_semaphore, #tpu.memory_space<semaphore_mem>>) src(%dma_wait3A_8 : memref<3072x768xf32, #tpu.memory_space<hbm>>) dst(%arg6 : memref<64x768xf32, #tpu.memory_space<vmem>>)
    "tpu.region"() ({
      %run_scoped3A = tpu.sem_alloc : memref<!tpu.dma_semaphore, #tpu.memory_space<semaphore_mem>>
      %dma_start3A_39 = arith.constant 0 : i32
      %dma_start3A_40 = tpu.memref_slice %arg4[%add3A_4, %dma_start3A_39] : memref<8192x768xf32, #tpu.memory_space<hbm>> -> memref<64x768xf32, #tpu.memory_space<hbm>>
      %dma_start3A_41 = arith.constant 0 : i32
      %dma_start3A_42 = tpu.memref_slice %arg4[%add3A_4, %dma_start3A_41] : memref<8192x768xf32, #tpu.memory_space<hbm>> -> memref<64x768xf32, #tpu.memory_space<hbm>>
      tpu.enqueue_dma source(%arg6 : memref<64x768xf32, #tpu.memory_space<vmem>>) target(%dma_start3A_42 : memref<64x768xf32, #tpu.memory_space<hbm>>) target_semaphore(%run_scoped3A : memref<!tpu.dma_semaphore, #tpu.memory_space<semaphore_mem>>)
      %dma_wait3A_43 = arith.constant 0 : i32
      %dma_wait3A_44 = tpu.memref_slice %arg4[%add3A_4, %dma_wait3A_43] : memref<8192x768xf32, #tpu.memory_space<hbm>> -> memref<64x768xf32, #tpu.memory_space<hbm>>
      %dma_wait3A_45 = arith.constant 0 : i32
      %dma_wait3A_46 = tpu.memref_slice %arg4[%add3A_4, %dma_wait3A_45] : memref<8192x768xf32, #tpu.memory_space<hbm>> -> memref<64x768xf32, #tpu.memory_space<hbm>>
      tpu.wait_dma2 semaphore(%run_scoped3A : memref<!tpu.dma_semaphore, #tpu.memory_space<semaphore_mem>>) src(%arg6 : memref<64x768xf32, #tpu.memory_space<vmem>>) dst(%dma_wait3A_46 : memref<64x768xf32, #tpu.memory_space<hbm>>)
      tpu.yield
    }) : () -> ()
    %mul3A_9 = arith.constant 256 : i32
    %mul3A_10 = arith.muli %add3A, %mul3A_9 : i32
    %add3A_11 = arith.constant 64 : i32
    %add3A_12 = arith.addi %mul3A_10, %add3A_11 : i32
    "tpu.region"() ({
      %run_scoped3A = tpu.sem_alloc : memref<!tpu.dma_semaphore, #tpu.memory_space<semaphore_mem>>
      %dma_start3A_39 = tpu.memref_slice %arg3[%add3A_12] : memref<8192xi32, #tpu.memory_space<hbm>> -> memref<64xi32, #tpu.memory_space<hbm>>
      %dma_start3A_40 = tpu.memref_slice %arg3[%add3A_12] : memref<8192xi32, #tpu.memory_space<hbm>> -> memref<64xi32, #tpu.memory_space<hbm>>
      tpu.enqueue_dma source(%dma_start3A_40 : memref<64xi32, #tpu.memory_space<hbm>>) target(%arg5 : memref<64xi32, #tpu.memory_space<vmem>>) target_semaphore(%run_scoped3A : memref<!tpu.dma_semaphore, #tpu.memory_space<semaphore_mem>>)
      %dma_wait3A_41 = tpu.memref_slice %arg3[%add3A_12] : memref<8192xi32, #tpu.memory_space<hbm>> -> memref<64xi32, #tpu.memory_space<hbm>>
      %dma_wait3A_42 = tpu.memref_slice %arg3[%add3A_12] : memref<8192xi32, #tpu.memory_space<hbm>> -> memref<64xi32, #tpu.memory_space<hbm>>
      tpu.wait_dma2 semaphore(%run_scoped3A : memref<!tpu.dma_semaphore, #tpu.memory_space<semaphore_mem>>) src(%dma_wait3A_42 : memref<64xi32, #tpu.memory_space<hbm>>) dst(%arg5 : memref<64xi32, #tpu.memory_space<vmem>>)
      tpu.yield
    }) : () -> ()
    %dma_start3A_13 = arith.constant 0 : i32
    %dma_start3A_14 = arith.constant 0 : i32
    %dma_start3A_15 = tpu.memref_slice %arg2[%dma_start3A_13, %dma_start3A_14] : memref<3072x768xf32, #tpu.memory_space<hbm>> -> memref<3072x768xf32, #tpu.memory_space<hbm>>
    tpu.enqueue_indirect_dma source(%dma_start3A_15 : memref<3072x768xf32, #tpu.memory_space<hbm>>) target(%arg6 : memref<64x768xf32, #tpu.memory_space<vmem>>) offsets(%arg5 : memref<64xi32, #tpu.memory_space<vmem>>) semaphore(%arg7 : memref<!tpu.dma_semaphore, #tpu.memory_space<semaphore_mem>>)
    %dma_wait3A_16 = arith.constant 0 : i32
    %dma_wait3A_17 = arith.constant 0 : i32
    %dma_wait3A_18 = tpu.memref_slice %arg2[%dma_wait3A_16, %dma_wait3A_17] : memref<3072x768xf32, #tpu.memory_space<hbm>> -> memref<3072x768xf32, #tpu.memory_space<hbm>>
    tpu.wait_indirect_dma semaphore(%arg7 : memref<!tpu.dma_semaphore, #tpu.memory_space<semaphore_mem>>) src(%dma_wait3A_18 : memref<3072x768xf32, #tpu.memory_space<hbm>>) dst(%arg6 : memref<64x768xf32, #tpu.memory_space<vmem>>)
    "tpu.region"() ({
      %run_scoped3A = tpu.sem_alloc : memref<!tpu.dma_semaphore, #tpu.memory_space<semaphore_mem>>
      %dma_start3A_39 = arith.constant 0 : i32
      %dma_start3A_40 = tpu.memref_slice %arg4[%add3A_12, %dma_start3A_39] : memref<8192x768xf32, #tpu.memory_space<hbm>> -> memref<64x768xf32, #tpu.memory_space<hbm>>
      %dma_start3A_41 = arith.constant 0 : i32
      %dma_start3A_42 = tpu.memref_slice %arg4[%add3A_12, %dma_start3A_41] : memref<8192x768xf32, #tpu.memory_space<hbm>> -> memref<64x768xf32, #tpu.memory_space<hbm>>
      tpu.enqueue_dma source(%arg6 : memref<64x768xf32, #tpu.memory_space<vmem>>) target(%dma_start3A_42 : memref<64x768xf32, #tpu.memory_space<hbm>>) target_semaphore(%run_scoped3A : memref<!tpu.dma_semaphore, #tpu.memory_space<semaphore_mem>>)
      %dma_wait3A_43 = arith.constant 0 : i32
      %dma_wait3A_44 = tpu.memref_slice %arg4[%add3A_12, %dma_wait3A_43] : memref<8192x768xf32, #tpu.memory_space<hbm>> -> memref<64x768xf32, #tpu.memory_space<hbm>>
      %dma_wait3A_45 = arith.constant 0 : i32
      %dma_wait3A_46 = tpu.memref_slice %arg4[%add3A_12, %dma_wait3A_45] : memref<8192x768xf32, #tpu.memory_space<hbm>> -> memref<64x768xf32, #tpu.memory_space<hbm>>
      tpu.wait_dma2 semaphore(%run_scoped3A : memref<!tpu.dma_semaphore, #tpu.memory_space<semaphore_mem>>) src(%arg6 : memref<64x768xf32, #tpu.memory_space<vmem>>) dst(%dma_wait3A_46 : memref<64x768xf32, #tpu.memory_space<hbm>>)
      tpu.yield
    }) : () -> ()
    %mul3A_19 = arith.constant 256 : i32
    %mul3A_20 = arith.muli %add3A, %mul3A_19 : i32
    %add3A_21 = arith.constant 128 : i32
    %add3A_22 = arith.addi %mul3A_20, %add3A_21 : i32
    "tpu.region"() ({
      %run_scoped3A = tpu.sem_alloc : memref<!tpu.dma_semaphore, #tpu.memory_space<semaphore_mem>>
      %dma_start3A_39 = tpu.memref_slice %arg3[%add3A_22] : memref<8192xi32, #tpu.memory_space<hbm>> -> memref<64xi32, #tpu.memory_space<hbm>>
      %dma_start3A_40 = tpu.memref_slice %arg3[%add3A_22] : memref<8192xi32, #tpu.memory_space<hbm>> -> memref<64xi32, #tpu.memory_space<hbm>>
      tpu.enqueue_dma source(%dma_start3A_40 : memref<64xi32, #tpu.memory_space<hbm>>) target(%arg5 : memref<64xi32, #tpu.memory_space<vmem>>) target_semaphore(%run_scoped3A : memref<!tpu.dma_semaphore, #tpu.memory_space<semaphore_mem>>)
      %dma_wait3A_41 = tpu.memref_slice %arg3[%add3A_22] : memref<8192xi32, #tpu.memory_space<hbm>> -> memref<64xi32, #tpu.memory_space<hbm>>
      %dma_wait3A_42 = tpu.memref_slice %arg3[%add3A_22] : memref<8192xi32, #tpu.memory_space<hbm>> -> memref<64xi32, #tpu.memory_space<hbm>>
      tpu.wait_dma2 semaphore(%run_scoped3A : memref<!tpu.dma_semaphore, #tpu.memory_space<semaphore_mem>>) src(%dma_wait3A_42 : memref<64xi32, #tpu.memory_space<hbm>>) dst(%arg5 : memref<64xi32, #tpu.memory_space<vmem>>)
      tpu.yield
    }) : () -> ()
    %dma_start3A_23 = arith.constant 0 : i32
    %dma_start3A_24 = arith.constant 0 : i32
    %dma_start3A_25 = tpu.memref_slice %arg2[%dma_start3A_23, %dma_start3A_24] : memref<3072x768xf32, #tpu.memory_space<hbm>> -> memref<3072x768xf32, #tpu.memory_space<hbm>>
    tpu.enqueue_indirect_dma source(%dma_start3A_25 : memref<3072x768xf32, #tpu.memory_space<hbm>>) target(%arg6 : memref<64x768xf32, #tpu.memory_space<vmem>>) offsets(%arg5 : memref<64xi32, #tpu.memory_space<vmem>>) semaphore(%arg7 : memref<!tpu.dma_semaphore, #tpu.memory_space<semaphore_mem>>)
    %dma_wait3A_26 = arith.constant 0 : i32
    %dma_wait3A_27 = arith.constant 0 : i32
    %dma_wait3A_28 = tpu.memref_slice %arg2[%dma_wait3A_26, %dma_wait3A_27] : memref<3072x768xf32, #tpu.memory_space<hbm>> -> memref<3072x768xf32, #tpu.memory_space<hbm>>
    tpu.wait_indirect_dma semaphore(%arg7 : memref<!tpu.dma_semaphore, #tpu.memory_space<semaphore_mem>>) src(%dma_wait3A_28 : memref<3072x768xf32, #tpu.memory_space<hbm>>) dst(%arg6 : memref<64x768xf32, #tpu.memory_space<vmem>>)
    "tpu.region"() ({
      %run_scoped3A = tpu.sem_alloc : memref<!tpu.dma_semaphore, #tpu.memory_space<semaphore_mem>>
      %dma_start3A_39 = arith.constant 0 : i32
      %dma_start3A_40 = tpu.memref_slice %arg4[%add3A_22, %dma_start3A_39] : memref<8192x768xf32, #tpu.memory_space<hbm>> -> memref<64x768xf32, #tpu.memory_space<hbm>>
      %dma_start3A_41 = arith.constant 0 : i32
      %dma_start3A_42 = tpu.memref_slice %arg4[%add3A_22, %dma_start3A_41] : memref<8192x768xf32, #tpu.memory_space<hbm>> -> memref<64x768xf32, #tpu.memory_space<hbm>>
      tpu.enqueue_dma source(%arg6 : memref<64x768xf32, #tpu.memory_space<vmem>>) target(%dma_start3A_42 : memref<64x768xf32, #tpu.memory_space<hbm>>) target_semaphore(%run_scoped3A : memref<!tpu.dma_semaphore, #tpu.memory_space<semaphore_mem>>)
      %dma_wait3A_43 = arith.constant 0 : i32
      %dma_wait3A_44 = tpu.memref_slice %arg4[%add3A_22, %dma_wait3A_43] : memref<8192x768xf32, #tpu.memory_space<hbm>> -> memref<64x768xf32, #tpu.memory_space<hbm>>
      %dma_wait3A_45 = arith.constant 0 : i32
      %dma_wait3A_46 = tpu.memref_slice %arg4[%add3A_22, %dma_wait3A_45] : memref<8192x768xf32, #tpu.memory_space<hbm>> -> memref<64x768xf32, #tpu.memory_space<hbm>>
      tpu.wait_dma2 semaphore(%run_scoped3A : memref<!tpu.dma_semaphore, #tpu.memory_space<semaphore_mem>>) src(%arg6 : memref<64x768xf32, #tpu.memory_space<vmem>>) dst(%dma_wait3A_46 : memref<64x768xf32, #tpu.memory_space<hbm>>)
      tpu.yield
    }) : () -> ()
    %mul3A_29 = arith.constant 256 : i32
    %mul3A_30 = arith.muli %add3A, %mul3A_29 : i32
    %add3A_31 = arith.constant 192 : i32
    %add3A_32 = arith.addi %mul3A_30, %add3A_31 : i32
    "tpu.region"() ({
      %run_scoped3A = tpu.sem_alloc : memref<!tpu.dma_semaphore, #tpu.memory_space<semaphore_mem>>
      %dma_start3A_39 = tpu.memref_slice %arg3[%add3A_32] : memref<8192xi32, #tpu.memory_space<hbm>> -> memref<64xi32, #tpu.memory_space<hbm>>
      %dma_start3A_40 = tpu.memref_slice %arg3[%add3A_32] : memref<8192xi32, #tpu.memory_space<hbm>> -> memref<64xi32, #tpu.memory_space<hbm>>
      tpu.enqueue_dma source(%dma_start3A_40 : memref<64xi32, #tpu.memory_space<hbm>>) target(%arg5 : memref<64xi32, #tpu.memory_space<vmem>>) target_semaphore(%run_scoped3A : memref<!tpu.dma_semaphore, #tpu.memory_space<semaphore_mem>>)
      %dma_wait3A_41 = tpu.memref_slice %arg3[%add3A_32] : memref<8192xi32, #tpu.memory_space<hbm>> -> memref<64xi32, #tpu.memory_space<hbm>>
      %dma_wait3A_42 = tpu.memref_slice %arg3[%add3A_32] : memref<8192xi32, #tpu.memory_space<hbm>> -> memref<64xi32, #tpu.memory_space<hbm>>
      tpu.wait_dma2 semaphore(%run_scoped3A : memref<!tpu.dma_semaphore, #tpu.memory_space<semaphore_mem>>) src(%dma_wait3A_42 : memref<64xi32, #tpu.memory_space<hbm>>) dst(%arg5 : memref<64xi32, #tpu.memory_space<vmem>>)
      tpu.yield
    }) : () -> ()
    %dma_start3A_33 = arith.constant 0 : i32
    %dma_start3A_34 = arith.constant 0 : i32
    %dma_start3A_35 = tpu.memref_slice %arg2[%dma_start3A_33, %dma_start3A_34] : memref<3072x768xf32, #tpu.memory_space<hbm>> -> memref<3072x768xf32, #tpu.memory_space<hbm>>
    tpu.enqueue_indirect_dma source(%dma_start3A_35 : memref<3072x768xf32, #tpu.memory_space<hbm>>) target(%arg6 : memref<64x768xf32, #tpu.memory_space<vmem>>) offsets(%arg5 : memref<64xi32, #tpu.memory_space<vmem>>) semaphore(%arg7 : memref<!tpu.dma_semaphore, #tpu.memory_space<semaphore_mem>>)
    %dma_wait3A_36 = arith.constant 0 : i32
    %dma_wait3A_37 = arith.constant 0 : i32
    %dma_wait3A_38 = tpu.memref_slice %arg2[%dma_wait3A_36, %dma_wait3A_37] : memref<3072x768xf32, #tpu.memory_space<hbm>> -> memref<3072x768xf32, #tpu.memory_space<hbm>>
    tpu.wait_indirect_dma semaphore(%arg7 : memref<!tpu.dma_semaphore, #tpu.memory_space<semaphore_mem>>) src(%dma_wait3A_38 : memref<3072x768xf32, #tpu.memory_space<hbm>>) dst(%arg6 : memref<64x768xf32, #tpu.memory_space<vmem>>)
    "tpu.region"() ({
      %run_scoped3A = tpu.sem_alloc : memref<!tpu.dma_semaphore, #tpu.memory_space<semaphore_mem>>
      %dma_start3A_39 = arith.constant 0 : i32
      %dma_start3A_40 = tpu.memref_slice %arg4[%add3A_32, %dma_start3A_39] : memref<8192x768xf32, #tpu.memory_space<hbm>> -> memref<64x768xf32, #tpu.memory_space<hbm>>
      %dma_start3A_41 = arith.constant 0 : i32
      %dma_start3A_42 = tpu.memref_slice %arg4[%add3A_32, %dma_start3A_41] : memref<8192x768xf32, #tpu.memory_space<hbm>> -> memref<64x768xf32, #tpu.memory_space<hbm>>
      tpu.enqueue_dma source(%arg6 : memref<64x768xf32, #tpu.memory_space<vmem>>) target(%dma_start3A_42 : memref<64x768xf32, #tpu.memory_space<hbm>>) target_semaphore(%run_scoped3A : memref<!tpu.dma_semaphore, #tpu.memory_space<semaphore_mem>>)
      %dma_wait3A_43 = arith.constant 0 : i32
      %dma_wait3A_44 = tpu.memref_slice %arg4[%add3A_32, %dma_wait3A_43] : memref<8192x768xf32, #tpu.memory_space<hbm>> -> memref<64x768xf32, #tpu.memory_space<hbm>>
      %dma_wait3A_45 = arith.constant 0 : i32
      %dma_wait3A_46 = tpu.memref_slice %arg4[%add3A_32, %dma_wait3A_45] : memref<8192x768xf32, #tpu.memory_space<hbm>> -> memref<64x768xf32, #tpu.memory_space<hbm>>
      tpu.wait_dma2 semaphore(%run_scoped3A : memref<!tpu.dma_semaphore, #tpu.memory_space<semaphore_mem>>) src(%arg6 : memref<64x768xf32, #tpu.memory_space<vmem>>) dst(%dma_wait3A_46 : memref<64x768xf32, #tpu.memory_space<hbm>>)
      tpu.yield
    }) : () -> ()
    return
  }
}

module attributes {stable_mosaic.version = 14 : i64} {
  func.func @_embed_kernel(%arg0: memref<2048x128xf32, #tpu.memory_space<vmem>>, %arg1: memref<128x768xf32, #tpu.memory_space<vmem>>, %arg2: memref<1x768xf32, #tpu.memory_space<vmem>>, %arg3: memref<2048x768xf32, #tpu.memory_space<vmem>>, %arg4: memref<768x128xf32, #tpu.memory_space<vmem>>, %arg5: memref<1x128xf32, #tpu.memory_space<vmem>>, %arg6: memref<512x128xf32, #tpu.memory_space<vmem>>, %arg7: memref<1x128xf32, #tpu.memory_space<vmem>>, %arg8: memref<512x128xf32, #tpu.memory_space<vmem>>, %arg9: memref<1x128xf32, #tpu.memory_space<vmem>>, %arg10: memref<512x128xf32, #tpu.memory_space<vmem>>, %arg11: memref<1x128xf32, #tpu.memory_space<vmem>>, %arg12: memref<128x768xf32, #tpu.memory_space<vmem>>, %arg13: memref<1x768xf32, #tpu.memory_space<vmem>>, %arg14: memref<768x768xbf16, #tpu.memory_space<vmem>>, %arg15: memref<768x768xbf16, #tpu.memory_space<vmem>>, %arg16: memref<768x768xbf16, #tpu.memory_space<vmem>>, %arg17: memref<1x768xf32, #tpu.memory_space<vmem>>, %arg18: memref<1x768xf32, #tpu.memory_space<vmem>>, %arg19: memref<1x768xf32, #tpu.memory_space<vmem>>, %arg20: memref<3072x768xf32, #tpu.memory_space<vmem>>, %arg21: memref<3072x768xbf16, #tpu.memory_space<vmem>>, %arg22: memref<3080x768xbf16, #tpu.memory_space<vmem>>, %arg23: memref<3080x768xbf16, #tpu.memory_space<vmem>>) attributes {dimension_semantics = [], scalar_prefetch = 0 : i64, scratch_operands = 0 : i64, tpu.core_type = #tpu.core_type<tc>} {
    %get3A = arith.constant 0 : index
    %get3A_0 = arith.constant 0 : index
    %get3A_1 = vector.load %arg0[%get3A, %get3A_0] : memref<2048x128xf32, #tpu.memory_space<vmem>>, vector<2048x128xf32>
    %get3A_2 = arith.constant 0 : index
    %get3A_3 = arith.constant 0 : index
    %get3A_4 = vector.load %arg1[%get3A_2, %get3A_3] : memref<128x768xf32, #tpu.memory_space<vmem>>, vector<128x768xf32>
    %dot_general3A = arith.constant dense<0.000000e+00> : vector<2048x768xf32>
    %dot_general3A_5 = tpu.matmul %get3A_1, %get3A_4, %dot_general3A {dimension_numbers = #tpu.dot_dimension_numbers<[1], [0], [0], [1], [0, 0, 1, 1], [], []>, transpose_lhs_hint = false} : vector<2048x128xf32>, vector<128x768xf32>, vector<2048x768xf32> -> vector<2048x768xf32>
    %get3A_6 = arith.constant 0 : index
    %get3A_7 = arith.constant 0 : index
    %get3A_8 = vector.load %arg2[%get3A_6, %get3A_7] : memref<1x768xf32, #tpu.memory_space<vmem>>, vector<1x768xf32>
    %add3A = vector.broadcast %get3A_8 : vector<1x768xf32> to vector<2048x768xf32>
    %add3A_9 = arith.addf %dot_general3A_5, %add3A : vector<2048x768xf32>
    %get3A_10 = arith.constant 0 : index
    %get3A_11 = arith.constant 0 : index
    %get3A_12 = vector.load %arg3[%get3A_10, %get3A_11] : memref<2048x768xf32, #tpu.memory_space<vmem>>, vector<2048x768xf32>
    %add3A_13 = arith.addf %add3A_9, %get3A_12 : vector<2048x768xf32>
    %get3A_14 = arith.constant 0 : index
    %get3A_15 = arith.constant 0 : index
    %get3A_16 = vector.load %arg4[%get3A_14, %get3A_15] : memref<768x128xf32, #tpu.memory_space<vmem>>, vector<768x128xf32>
    %dot_general3A_17 = arith.constant dense<0.000000e+00> : vector<2048x128xf32>
    %dot_general3A_18 = tpu.matmul %add3A_13, %get3A_16, %dot_general3A_17 {dimension_numbers = #tpu.dot_dimension_numbers<[1], [0], [0], [1], [0, 0, 1, 1], [], []>, transpose_lhs_hint = false} : vector<2048x768xf32>, vector<768x128xf32>, vector<2048x128xf32> -> vector<2048x128xf32>
    %get3A_19 = arith.constant 0 : index
    %get3A_20 = arith.constant 0 : index
    %get3A_21 = vector.load %arg5[%get3A_19, %get3A_20] : memref<1x128xf32, #tpu.memory_space<vmem>>, vector<1x128xf32>
    %add3A_22 = vector.broadcast %get3A_21 : vector<1x128xf32> to vector<2048x128xf32>
    %add3A_23 = arith.addf %dot_general3A_18, %add3A_22 : vector<2048x128xf32>
    %reshape3A = vector.shape_cast %add3A_23 : vector<2048x128xf32> to vector<512x512xf32>
    %get3A_24 = arith.constant 0 : index
    %get3A_25 = arith.constant 0 : index
    %get3A_26 = vector.load %arg6[%get3A_24, %get3A_25] : memref<512x128xf32, #tpu.memory_space<vmem>>, vector<512x128xf32>
    %dot_general3A_27 = arith.constant dense<0.000000e+00> : vector<512x128xf32>
    %dot_general3A_28 = tpu.matmul %reshape3A, %get3A_26, %dot_general3A_27 {dimension_numbers = #tpu.dot_dimension_numbers<[1], [0], [0], [1], [0, 0, 1, 1], [], []>, transpose_lhs_hint = false} : vector<512x512xf32>, vector<512x128xf32>, vector<512x128xf32> -> vector<512x128xf32>
    %get3A_29 = arith.constant 0 : index
    %get3A_30 = arith.constant 0 : index
    %get3A_31 = vector.load %arg7[%get3A_29, %get3A_30] : memref<1x128xf32, #tpu.memory_space<vmem>>, vector<1x128xf32>
    %add3A_32 = vector.broadcast %get3A_31 : vector<1x128xf32> to vector<512x128xf32>
    %add3A_33 = arith.addf %dot_general3A_28, %add3A_32 : vector<512x128xf32>
    %gt3A = arith.constant 0.000000e+00 : f32
    %gt3A_34 = vector.broadcast %gt3A : f32 to vector<512x128xf32>
    %gt3A_35 = arith.cmpf ogt, %add3A_33, %gt3A_34 : vector<512x128xf32>
    %min3A = arith.constant 0.000000e+00 : f32
    %min3A_36 = vector.broadcast %min3A : f32 to vector<512x128xf32>
    %min3A_37 = arith.minimumf %add3A_33, %min3A_36 : vector<512x128xf32>
    %exp3A = math.exp %min3A_37 : vector<512x128xf32>
    %sub3A = arith.constant 1.000000e+00 : f32
    %sub3A_38 = vector.broadcast %sub3A : f32 to vector<512x128xf32>
    %sub3A_39 = arith.subf %exp3A, %sub3A_38 : vector<512x128xf32>
    %select_n3A = arith.select %gt3A_35, %add3A_33, %sub3A_39 : vector<512x128xi1>, vector<512x128xf32>
    %reshape3A_40 = vector.shape_cast %select_n3A : vector<512x128xf32> to vector<128x512xf32>
    %get3A_41 = arith.constant 0 : index
    %get3A_42 = arith.constant 0 : index
    %get3A_43 = vector.load %arg8[%get3A_41, %get3A_42] : memref<512x128xf32, #tpu.memory_space<vmem>>, vector<512x128xf32>
    %dot_general3A_44 = arith.constant dense<0.000000e+00> : vector<128x128xf32>
    %dot_general3A_45 = tpu.matmul %reshape3A_40, %get3A_43, %dot_general3A_44 {dimension_numbers = #tpu.dot_dimension_numbers<[1], [0], [0], [1], [0, 0, 1, 1], [], []>, transpose_lhs_hint = false} : vector<128x512xf32>, vector<512x128xf32>, vector<128x128xf32> -> vector<128x128xf32>
    %get3A_46 = arith.constant 0 : index
    %get3A_47 = arith.constant 0 : index
    %get3A_48 = vector.load %arg9[%get3A_46, %get3A_47] : memref<1x128xf32, #tpu.memory_space<vmem>>, vector<1x128xf32>
    %add3A_49 = vector.broadcast %get3A_48 : vector<1x128xf32> to vector<128x128xf32>
    %add3A_50 = arith.addf %dot_general3A_45, %add3A_49 : vector<128x128xf32>
    %gt3A_51 = arith.constant 0.000000e+00 : f32
    %gt3A_52 = vector.broadcast %gt3A_51 : f32 to vector<128x128xf32>
    %gt3A_53 = arith.cmpf ogt, %add3A_50, %gt3A_52 : vector<128x128xf32>
    %min3A_54 = arith.constant 0.000000e+00 : f32
    %min3A_55 = vector.broadcast %min3A_54 : f32 to vector<128x128xf32>
    %min3A_56 = arith.minimumf %add3A_50, %min3A_55 : vector<128x128xf32>
    %exp3A_57 = math.exp %min3A_56 : vector<128x128xf32>
    %sub3A_58 = arith.constant 1.000000e+00 : f32
    %sub3A_59 = vector.broadcast %sub3A_58 : f32 to vector<128x128xf32>
    %sub3A_60 = arith.subf %exp3A_57, %sub3A_59 : vector<128x128xf32>
    %select_n3A_61 = arith.select %gt3A_53, %add3A_50, %sub3A_60 : vector<128x128xi1>, vector<128x128xf32>
    %reshape3A_62 = vector.shape_cast %select_n3A_61 : vector<128x128xf32> to vector<32x512xf32>
    %get3A_63 = arith.constant 0 : index
    %get3A_64 = arith.constant 0 : index
    %get3A_65 = vector.load %arg10[%get3A_63, %get3A_64] : memref<512x128xf32, #tpu.memory_space<vmem>>, vector<512x128xf32>
    %dot_general3A_66 = arith.constant dense<0.000000e+00> : vector<32x128xf32>
    %dot_general3A_67 = tpu.matmul %reshape3A_62, %get3A_65, %dot_general3A_66 {dimension_numbers = #tpu.dot_dimension_numbers<[1], [0], [0], [1], [0, 0, 1, 1], [], []>, transpose_lhs_hint = false} : vector<32x512xf32>, vector<512x128xf32>, vector<32x128xf32> -> vector<32x128xf32>
    %get3A_68 = arith.constant 0 : index
    %get3A_69 = arith.constant 0 : index
    %get3A_70 = vector.load %arg11[%get3A_68, %get3A_69] : memref<1x128xf32, #tpu.memory_space<vmem>>, vector<1x128xf32>
    %add3A_71 = vector.broadcast %get3A_70 : vector<1x128xf32> to vector<32x128xf32>
    %add3A_72 = arith.addf %dot_general3A_67, %add3A_71 : vector<32x128xf32>
    %gt3A_73 = arith.constant 0.000000e+00 : f32
    %gt3A_74 = vector.broadcast %gt3A_73 : f32 to vector<32x128xf32>
    %gt3A_75 = arith.cmpf ogt, %add3A_72, %gt3A_74 : vector<32x128xf32>
    %min3A_76 = arith.constant 0.000000e+00 : f32
    %min3A_77 = vector.broadcast %min3A_76 : f32 to vector<32x128xf32>
    %min3A_78 = arith.minimumf %add3A_72, %min3A_77 : vector<32x128xf32>
    %exp3A_79 = math.exp %min3A_78 : vector<32x128xf32>
    %sub3A_80 = arith.constant 1.000000e+00 : f32
    %sub3A_81 = vector.broadcast %sub3A_80 : f32 to vector<32x128xf32>
    %sub3A_82 = arith.subf %exp3A_79, %sub3A_81 : vector<32x128xf32>
    %select_n3A_83 = arith.select %gt3A_75, %add3A_72, %sub3A_82 : vector<32x128xi1>, vector<32x128xf32>
    %concatenate3A = tpu.concatenate %select_n3A, %select_n3A_61, %select_n3A_83 in 0 : vector<512x128xf32>, vector<128x128xf32>, vector<32x128xf32> -> vector<672x128xf32>
    %get3A_84 = arith.constant 0 : index
    %get3A_85 = arith.constant 0 : index
    %get3A_86 = vector.load %arg12[%get3A_84, %get3A_85] : memref<128x768xf32, #tpu.memory_space<vmem>>, vector<128x768xf32>
    %dot_general3A_87 = arith.constant dense<0.000000e+00> : vector<672x768xf32>
    %dot_general3A_88 = tpu.matmul %concatenate3A, %get3A_86, %dot_general3A_87 {dimension_numbers = #tpu.dot_dimension_numbers<[1], [0], [0], [1], [0, 0, 1, 1], [], []>, transpose_lhs_hint = false} : vector<672x128xf32>, vector<128x768xf32>, vector<672x768xf32> -> vector<672x768xf32>
    %get3A_89 = arith.constant 0 : index
    %get3A_90 = arith.constant 0 : index
    %get3A_91 = vector.load %arg13[%get3A_89, %get3A_90] : memref<1x768xf32, #tpu.memory_space<vmem>>, vector<1x768xf32>
    %add3A_92 = vector.broadcast %get3A_91 : vector<1x768xf32> to vector<672x768xf32>
    %add3A_93 = arith.addf %dot_general3A_88, %add3A_92 : vector<672x768xf32>
    %concatenate3A_94 = tpu.concatenate %add3A_13, %add3A_93 in 0 : vector<2048x768xf32>, vector<672x768xf32> -> vector<2720x768xf32>
    %reduce_sum3A = arith.constant dense<0.000000e+00> : vector<2720xf32>
    %reduce_sum3A_95 = vector.multi_reduction <add>, %concatenate3A_94, %reduce_sum3A [1] : vector<2720x768xf32> to vector<2720xf32>
    %broadcast_in_dim3A = vector.shape_cast %reduce_sum3A_95 : vector<2720xf32> to vector<2720x1xf32>
    %div3A = arith.constant 7.680000e+02 : f32
    %div3A_96 = vector.broadcast %div3A : f32 to vector<2720x1xf32>
    %div3A_97 = arith.divf %broadcast_in_dim3A, %div3A_96 : vector<2720x1xf32>
    %sub3A_98 = vector.broadcast %div3A_97 : vector<2720x1xf32> to vector<2720x768xf32>
    %sub3A_99 = arith.subf %concatenate3A_94, %sub3A_98 : vector<2720x768xf32>
    %sub3A_100 = vector.broadcast %div3A_97 : vector<2720x1xf32> to vector<2720x768xf32>
    %sub3A_101 = arith.subf %concatenate3A_94, %sub3A_100 : vector<2720x768xf32>
    %mul3A = arith.mulf %sub3A_99, %sub3A_101 : vector<2720x768xf32>
    %reduce_sum3A_102 = arith.constant dense<0.000000e+00> : vector<2720xf32>
    %reduce_sum3A_103 = vector.multi_reduction <add>, %mul3A, %reduce_sum3A_102 [1] : vector<2720x768xf32> to vector<2720xf32>
    %broadcast_in_dim3A_104 = vector.shape_cast %reduce_sum3A_103 : vector<2720xf32> to vector<2720x1xf32>
    %div3A_105 = arith.constant 7.680000e+02 : f32
    %div3A_106 = vector.broadcast %div3A_105 : f32 to vector<2720x1xf32>
    %div3A_107 = arith.divf %broadcast_in_dim3A_104, %div3A_106 : vector<2720x1xf32>
    %sub3A_108 = vector.broadcast %div3A_97 : vector<2720x1xf32> to vector<2720x768xf32>
    %sub3A_109 = arith.subf %concatenate3A_94, %sub3A_108 : vector<2720x768xf32>
    %add3A_110 = arith.constant 9.99999974E-6 : f32
    %add3A_111 = vector.broadcast %add3A_110 : f32 to vector<2720x1xf32>
    %add3A_112 = arith.addf %div3A_107, %add3A_111 : vector<2720x1xf32>
    %rsqrt3A = math.rsqrt %add3A_112 : vector<2720x1xf32>
    %mul3A_113 = vector.broadcast %rsqrt3A : vector<2720x1xf32> to vector<2720x768xf32>
    %mul3A_114 = arith.mulf %sub3A_109, %mul3A_113 : vector<2720x768xf32>
    %swap3A = arith.constant 0 : index
    %swap3A_115 = arith.constant 0 : index
    %swap3A_116 = vector.load %arg20[%swap3A, %swap3A_115] : memref<3072x768xf32, #tpu.memory_space<vmem>>, vector<2720x768xf32>
    tpu.vector_store %arg20[%swap3A, %swap3A_115], %mul3A_114 {strides = array<i32>} : memref<3072x768xf32, #tpu.memory_space<vmem>>, vector<2720x768xf32>,
    %broadcast_in_dim3A_117 = arith.constant 0.000000e+00 : f32
    %broadcast_in_dim3A_118 = vector.broadcast %broadcast_in_dim3A_117 : f32 to vector<352x768xf32>
    %swap3A_119 = arith.constant 2720 : index
    %swap3A_120 = arith.constant 0 : index
    %swap3A_121 = vector.load %arg20[%swap3A_119, %swap3A_120] : memref<3072x768xf32, #tpu.memory_space<vmem>>, vector<352x768xf32>
    tpu.vector_store %arg20[%swap3A_119, %swap3A_120], %broadcast_in_dim3A_118 {strides = array<i32>} : memref<3072x768xf32, #tpu.memory_space<vmem>>, vector<352x768xf32>,
    %convert_element_type3A = arith.truncf %mul3A_114 : vector<2720x768xf32> to vector<2720x768xbf16>
    %get3A_122 = arith.constant 0 : index
    %get3A_123 = arith.constant 0 : index
    %get3A_124 = vector.load %arg14[%get3A_122, %get3A_123] : memref<768x768xbf16, #tpu.memory_space<vmem>>, vector<768x768xbf16>
    %dot_general3A_125 = arith.constant dense<0.000000e+00> : vector<2720x768xf32>
    %dot_general3A_126 = tpu.matmul %convert_element_type3A, %get3A_124, %dot_general3A_125 {dimension_numbers = #tpu.dot_dimension_numbers<[1], [0], [0], [1], [0, 0, 1, 1], [], []>, transpose_lhs_hint = false} : vector<2720x768xbf16>, vector<768x768xbf16>, vector<2720x768xf32> -> vector<2720x768xf32>
    %get3A_127 = arith.constant 0 : index
    %get3A_128 = arith.constant 0 : index
    %get3A_129 = vector.load %arg17[%get3A_127, %get3A_128] : memref<1x768xf32, #tpu.memory_space<vmem>>, vector<1x768xf32>
    %add3A_130 = vector.broadcast %get3A_129 : vector<1x768xf32> to vector<2720x768xf32>
    %add3A_131 = arith.addf %dot_general3A_126, %add3A_130 : vector<2720x768xf32>
    %mul3A_132 = arith.constant 1.250000e-01 : f32
    %mul3A_133 = vector.broadcast %mul3A_132 : f32 to vector<2720x768xf32>
    %mul3A_134 = arith.mulf %add3A_131, %mul3A_133 : vector<2720x768xf32>
    %convert_element_type3A_135 = arith.truncf %mul3A_134 : vector<2720x768xf32> to vector<2720x768xbf16>
    %swap3A_136 = arith.constant 0 : index
    %swap3A_137 = arith.constant 0 : index
    %swap3A_138 = vector.load %arg21[%swap3A_136, %swap3A_137] : memref<3072x768xbf16, #tpu.memory_space<vmem>>, vector<2720x768xbf16>
    tpu.vector_store %arg21[%swap3A_136, %swap3A_137], %convert_element_type3A_135 {strides = array<i32>} : memref<3072x768xbf16, #tpu.memory_space<vmem>>, vector<2720x768xbf16>,
    %broadcast_in_dim3A_139 = arith.constant 0.000000e+00 : bf16
    %broadcast_in_dim3A_140 = vector.broadcast %broadcast_in_dim3A_139 : bf16 to vector<352x768xbf16>
    %swap3A_141 = arith.constant 2720 : index
    %swap3A_142 = arith.constant 0 : index
    %swap3A_143 = vector.load %arg21[%swap3A_141, %swap3A_142] : memref<3072x768xbf16, #tpu.memory_space<vmem>>, vector<352x768xbf16>
    tpu.vector_store %arg21[%swap3A_141, %swap3A_142], %broadcast_in_dim3A_140 {strides = array<i32>} : memref<3072x768xbf16, #tpu.memory_space<vmem>>, vector<352x768xbf16>,
    %broadcast_in_dim3A_144 = arith.constant 0.000000e+00 : bf16
    %broadcast_in_dim3A_145 = vector.broadcast %broadcast_in_dim3A_144 : bf16 to vector<8x768xbf16>
    %swap3A_146 = arith.constant 0 : index
    %swap3A_147 = arith.constant 0 : index
    %swap3A_148 = vector.load %arg22[%swap3A_146, %swap3A_147] : memref<3080x768xbf16, #tpu.memory_space<vmem>>, vector<8x768xbf16>
    tpu.vector_store %arg22[%swap3A_146, %swap3A_147], %broadcast_in_dim3A_145 {strides = array<i32>} : memref<3080x768xbf16, #tpu.memory_space<vmem>>, vector<8x768xbf16>,
    %get3A_149 = arith.constant 0 : index
    %get3A_150 = arith.constant 0 : index
    %get3A_151 = vector.load %arg15[%get3A_149, %get3A_150] : memref<768x768xbf16, #tpu.memory_space<vmem>>, vector<768x768xbf16>
    %dot_general3A_152 = arith.constant dense<0.000000e+00> : vector<2720x768xf32>
    %dot_general3A_153 = tpu.matmul %convert_element_type3A, %get3A_151, %dot_general3A_152 {dimension_numbers = #tpu.dot_dimension_numbers<[1], [0], [0], [1], [0, 0, 1, 1], [], []>, transpose_lhs_hint = false} : vector<2720x768xbf16>, vector<768x768xbf16>, vector<2720x768xf32> -> vector<2720x768xf32>
    %get3A_154 = arith.constant 0 : index
    %get3A_155 = arith.constant 0 : index
    %get3A_156 = vector.load %arg18[%get3A_154, %get3A_155] : memref<1x768xf32, #tpu.memory_space<vmem>>, vector<1x768xf32>
    %add3A_157 = vector.broadcast %get3A_156 : vector<1x768xf32> to vector<2720x768xf32>
    %add3A_158 = arith.addf %dot_general3A_153, %add3A_157 : vector<2720x768xf32>
    %convert_element_type3A_159 = arith.truncf %add3A_158 : vector<2720x768xf32> to vector<2720x768xbf16>
    %swap3A_160 = arith.constant 8 : index
    %swap3A_161 = arith.constant 0 : index
    %swap3A_162 = vector.load %arg22[%swap3A_160, %swap3A_161] : memref<3080x768xbf16, #tpu.memory_space<vmem>>, vector<2720x768xbf16>
    tpu.vector_store %arg22[%swap3A_160, %swap3A_161], %convert_element_type3A_159 {strides = array<i32>} : memref<3080x768xbf16, #tpu.memory_space<vmem>>, vector<2720x768xbf16>,
    %broadcast_in_dim3A_163 = arith.constant 0.000000e+00 : bf16
    %broadcast_in_dim3A_164 = vector.broadcast %broadcast_in_dim3A_163 : bf16 to vector<352x768xbf16>
    %swap3A_165 = arith.constant 2728 : index
    %swap3A_166 = arith.constant 0 : index
    %swap3A_167 = vector.load %arg22[%swap3A_165, %swap3A_166] : memref<3080x768xbf16, #tpu.memory_space<vmem>>, vector<352x768xbf16>
    tpu.vector_store %arg22[%swap3A_165, %swap3A_166], %broadcast_in_dim3A_164 {strides = array<i32>} : memref<3080x768xbf16, #tpu.memory_space<vmem>>, vector<352x768xbf16>,
    %broadcast_in_dim3A_168 = arith.constant 0.000000e+00 : bf16
    %broadcast_in_dim3A_169 = vector.broadcast %broadcast_in_dim3A_168 : bf16 to vector<8x768xbf16>
    %swap3A_170 = arith.constant 0 : index
    %swap3A_171 = arith.constant 0 : index
    %swap3A_172 = vector.load %arg23[%swap3A_170, %swap3A_171] : memref<3080x768xbf16, #tpu.memory_space<vmem>>, vector<8x768xbf16>
    tpu.vector_store %arg23[%swap3A_170, %swap3A_171], %broadcast_in_dim3A_169 {strides = array<i32>} : memref<3080x768xbf16, #tpu.memory_space<vmem>>, vector<8x768xbf16>,
    %get3A_173 = arith.constant 0 : index
    %get3A_174 = arith.constant 0 : index
    %get3A_175 = vector.load %arg16[%get3A_173, %get3A_174] : memref<768x768xbf16, #tpu.memory_space<vmem>>, vector<768x768xbf16>
    %dot_general3A_176 = arith.constant dense<0.000000e+00> : vector<2720x768xf32>
    %dot_general3A_177 = tpu.matmul %convert_element_type3A, %get3A_175, %dot_general3A_176 {dimension_numbers = #tpu.dot_dimension_numbers<[1], [0], [0], [1], [0, 0, 1, 1], [], []>, transpose_lhs_hint = false} : vector<2720x768xbf16>, vector<768x768xbf16>, vector<2720x768xf32> -> vector<2720x768xf32>
    %get3A_178 = arith.constant 0 : index
    %get3A_179 = arith.constant 0 : index
    %get3A_180 = vector.load %arg19[%get3A_178, %get3A_179] : memref<1x768xf32, #tpu.memory_space<vmem>>, vector<1x768xf32>
    %add3A_181 = vector.broadcast %get3A_180 : vector<1x768xf32> to vector<2720x768xf32>
    %add3A_182 = arith.addf %dot_general3A_177, %add3A_181 : vector<2720x768xf32>
    %convert_element_type3A_183 = arith.truncf %add3A_182 : vector<2720x768xf32> to vector<2720x768xbf16>
    %swap3A_184 = arith.constant 8 : index
    %swap3A_185 = arith.constant 0 : index
    %swap3A_186 = vector.load %arg23[%swap3A_184, %swap3A_185] : memref<3080x768xbf16, #tpu.memory_space<vmem>>, vector<2720x768xbf16>
    tpu.vector_store %arg23[%swap3A_184, %swap3A_185], %convert_element_type3A_183 {strides = array<i32>} : memref<3080x768xbf16, #tpu.memory_space<vmem>>, vector<2720x768xbf16>,
    %broadcast_in_dim3A_187 = arith.constant 0.000000e+00 : bf16
    %broadcast_in_dim3A_188 = vector.broadcast %broadcast_in_dim3A_187 : bf16 to vector<352x768xbf16>
    %swap3A_189 = arith.constant 2728 : index
    %swap3A_190 = arith.constant 0 : index
    %swap3A_191 = vector.load %arg23[%swap3A_189, %swap3A_190] : memref<3080x768xbf16, #tpu.memory_space<vmem>>, vector<352x768xbf16>
    tpu.vector_store %arg23[%swap3A_189, %swap3A_190], %broadcast_in_dim3A_188 {strides = array<i32>} : memref<3080x768xbf16, #tpu.memory_space<vmem>>, vector<352x768xbf16>,
    return
  }
}

module attributes {stable_mosaic.version = 14 : i64} {
  func.func @_attn_kernel(%arg0: i32, %arg1: memref<128x768xbf16, #tpu.memory_space<vmem>>, %arg2: memref<3080x768xbf16, #tpu.memory_space<vmem>>, %arg3: memref<3080x768xbf16, #tpu.memory_space<vmem>>, %arg4: memref<128x768xf32, #tpu.memory_space<vmem>>, %arg5: memref<768x768xbf16, #tpu.memory_space<vmem>>, %arg6: memref<1x768xf32, #tpu.memory_space<vmem>>, %arg7: memref<128x768xf32, #tpu.memory_space<vmem>>) attributes {dimension_semantics = [#tpu.dimension_semantics<arbitrary>], iteration_bounds = array<i64: 22>, scalar_prefetch = 0 : i64, scratch_operands = 0 : i64, tpu.core_type = #tpu.core_type<tc>, window_params = [{transform_indices = @transform_0, window_bounds = array<i64: 128, 768>}, {pipeline_mode = #tpu.pipeline_mode<synchronous>, transform_indices = @transform_1, window_bounds = array<i64: 3080, 768>}, {pipeline_mode = #tpu.pipeline_mode<synchronous>, transform_indices = @transform_2, window_bounds = array<i64: 3080, 768>}, {transform_indices = @transform_3, window_bounds = array<i64: 128, 768>}, {pipeline_mode = #tpu.pipeline_mode<synchronous>, transform_indices = @transform_4, window_bounds = array<i64: 768, 768>}, {pipeline_mode = #tpu.pipeline_mode<synchronous>, transform_indices = @transform_5, window_bounds = array<i64: 1, 768>}, {transform_indices = @transform_6, window_bounds = array<i64: 128, 768>}]} {
    %mul3A = arith.constant 128 : i32
    %mul3A_0 = arith.muli %arg0, %mul3A : i32
    %multiple_of3A = tpu.assume_multiple %mul3A_0, 8 : i32
    %mul3A_1 = arith.constant 32 : i32
    %mul3A_2 = arith.muli %mul3A_1, %arg0 : i32
    %add3A = arith.constant 2048 : i32
    %add3A_3 = arith.addi %add3A, %mul3A_2 : i32
    %add3A_4 = arith.constant 8 : i32
    %add3A_5 = arith.addi %add3A_3, %add3A_4 : i32
    %multiple_of3A_6 = tpu.assume_multiple %add3A_5, 8 : i32
    %lt3A = arith.constant 16 : i32
    %lt3A_7 = arith.cmpi slt, %arg0, %lt3A : i32
    %lt3A_8 = arith.constant 20 : i32
    %lt3A_9 = arith.cmpi slt, %arg0, %lt3A_8 : i32
    %lt3A_10 = arith.constant 21 : i32
    %lt3A_11 = arith.cmpi slt, %arg0, %lt3A_10 : i32
    %jit3A = arith.constant 2560 : i32
    %jit3A_12 = arith.constant 2688 : i32
    %select_n3A = arith.select %lt3A_11, %jit3A, %jit3A_12 : i32
    %jit3A_13 = arith.constant 2048 : i32
    %select_n3A_14 = arith.select %lt3A_9, %jit3A_13, %select_n3A : i32
    %jit3A_15 = arith.constant 0 : i32
    %select_n3A_16 = arith.select %lt3A_7, %jit3A_15, %select_n3A_14 : i32
    %lt3A_17 = arith.constant 16 : i32
    %lt3A_18 = arith.cmpi slt, %arg0, %lt3A_17 : i32
    %lt3A_19 = arith.constant 20 : i32
    %lt3A_20 = arith.cmpi slt, %arg0, %lt3A_19 : i32
    %lt3A_21 = arith.constant 21 : i32
    %lt3A_22 = arith.cmpi slt, %arg0, %lt3A_21 : i32
    %jit3A_23 = arith.constant 2688 : i32
    %jit3A_24 = arith.constant 2720 : i32
    %select_n3A_25 = arith.select %lt3A_22, %jit3A_23, %jit3A_24 : i32
    %jit3A_26 = arith.constant 2560 : i32
    %select_n3A_27 = arith.select %lt3A_20, %jit3A_26, %select_n3A_25 : i32
    %jit3A_28 = arith.constant 2048 : i32
    %select_n3A_29 = arith.select %lt3A_18, %jit3A_28, %select_n3A_27 : i32
    %ne3A = arith.constant 21 : i32
    %ne3A_30 = arith.cmpi ne, %arg0, %ne3A : i32
    %lt3A_31 = arith.constant 21 : i32
    %lt3A_32 = arith.cmpi slt, %arg0, %lt3A_31 : i32
    %jit3A_33 = arith.constant 512 : i32
    %jit3A_34 = arith.constant 128 : i32
    %select_n3A_35 = arith.select %lt3A_32, %jit3A_33, %jit3A_34 : i32
    %get3A = arith.constant 0 : index
    %get3A_36 = arith.constant 0 : index
    %get3A_37 = vector.load %arg1[%get3A, %get3A_36] : memref<128x768xbf16, #tpu.memory_space<vmem>>, vector<128x768xbf16>
    %convert_element_type3A = arith.extf %get3A_37 : vector<128x768xbf16> to vector<128x768xf32>
    %get3A_38 = arith.index_cast %multiple_of3A : i32 to index
    %get3A_39 = arith.constant 0 : index
    %get3A_40 = vector.load %arg2[%get3A_38, %get3A_39] : memref<3080x768xbf16, #tpu.memory_space<vmem>>, vector<144x768xbf16>
    %get3A_41 = arith.index_cast %multiple_of3A : i32 to index
    %get3A_42 = arith.constant 0 : index
    %get3A_43 = vector.load %arg3[%get3A_41, %get3A_42] : memref<3080x768xbf16, #tpu.memory_space<vmem>>, vector<144x768xbf16>
    %get3A_44 = arith.index_cast %multiple_of3A_6 : i32 to index
    %get3A_45 = arith.constant 0 : index
    %get3A_46 = vector.load %arg2[%get3A_44, %get3A_45] : memref<3080x768xbf16, #tpu.memory_space<vmem>>, vector<32x768xbf16>
    %broadcast_in_dim3A = vector.shape_cast %get3A_46 : vector<32x768xbf16> to vector<32x1x768xbf16>
    %broadcast_in_dim3A_47 = vector.broadcast %broadcast_in_dim3A : vector<32x1x768xbf16> to vector<32x4x768xbf16>
    %reshape3A = vector.shape_cast %broadcast_in_dim3A_47 : vector<32x4x768xbf16> to vector<128x768xbf16>
    %convert_element_type3A_48 = arith.extf %reshape3A : vector<128x768xbf16> to vector<128x768xf32>
    %get3A_49 = arith.index_cast %multiple_of3A_6 : i32 to index
    %get3A_50 = arith.constant 0 : index
    %get3A_51 = vector.load %arg3[%get3A_49, %get3A_50] : memref<3080x768xbf16, #tpu.memory_space<vmem>>, vector<32x768xbf16>
    %broadcast_in_dim3A_52 = vector.shape_cast %get3A_51 : vector<32x768xbf16> to vector<32x1x768xbf16>
    %broadcast_in_dim3A_53 = vector.broadcast %broadcast_in_dim3A_52 : vector<32x1x768xbf16> to vector<32x4x768xbf16>
    %reshape3A_54 = vector.shape_cast %broadcast_in_dim3A_53 : vector<32x4x768xbf16> to vector<128x768xbf16>
    %convert_element_type3A_55 = arith.extf %reshape3A_54 : vector<128x768xbf16> to vector<128x768xf32>
    %iota3A = tpu.iota {dimensions = array<i32: 0>} : vector<768x12xi32>
    %jit3A_56 = arith.constant 64 : i32
    %div3A = vector.broadcast %jit3A_56 : i32 to vector<768x12xi32>
    %div3A_57 = arith.divsi %iota3A, %div3A : vector<768x12xi32>
    %sign3A = arith.constant 0 : i32
    %sign3A_58 = vector.broadcast %sign3A : i32 to vector<768x12xi32>
    %sign3A_59 = arith.cmpi sgt, %iota3A, %sign3A_58 : vector<768x12xi32>
    %sign3A_60 = arith.extui %sign3A_59 : vector<768x12xi1> to vector<768x12xi32>
    %sign3A_61 = arith.constant 0 : i32
    %sign3A_62 = vector.broadcast %sign3A_61 : i32 to vector<768x12xi32>
    %sign3A_63 = arith.cmpi slt, %iota3A, %sign3A_62 : vector<768x12xi32>
    %sign3A_64 = arith.extui %sign3A_63 : vector<768x12xi1> to vector<768x12xi32>
    %sign3A_65 = arith.subi %sign3A_60, %sign3A_64 : vector<768x12xi32>
    %sign3A_66 = arith.constant 0 : i32
    %sign3A_67 = arith.cmpi sgt, %jit3A_56, %sign3A_66 : i32
    %sign3A_68 = arith.extui %sign3A_67 : i1 to i32
    %sign3A_69 = arith.constant 0 : i32
    %sign3A_70 = arith.cmpi slt, %jit3A_56, %sign3A_69 : i32
    %sign3A_71 = arith.extui %sign3A_70 : i1 to i32
    %sign3A_72 = arith.subi %sign3A_68, %sign3A_71 : i32
    %ne3A_73 = vector.broadcast %sign3A_72 : i32 to vector<768x12xi32>
    %ne3A_74 = arith.cmpi ne, %sign3A_65, %ne3A_73 : vector<768x12xi32>
    %rem3A = vector.broadcast %jit3A_56 : i32 to vector<768x12xi32>
    %rem3A_75 = arith.remsi %iota3A, %rem3A : vector<768x12xi32>
    %ne3A_76 = arith.constant 0 : i32
    %ne3A_77 = vector.broadcast %ne3A_76 : i32 to vector<768x12xi32>
    %ne3A_78 = arith.cmpi ne, %rem3A_75, %ne3A_77 : vector<768x12xi32>
    %and3A = arith.andi %ne3A_74, %ne3A_78 : vector<768x12xi1>
    %sub3A = arith.constant 1 : i32
    %sub3A_79 = vector.broadcast %sub3A : i32 to vector<768x12xi32>
    %sub3A_80 = arith.subi %div3A_57, %sub3A_79 : vector<768x12xi32>
    %select_n3A_81 = arith.select %and3A, %sub3A_80, %div3A_57 : vector<768x12xi1>, vector<768x12xi32>
    %iota3A_82 = tpu.iota {dimensions = array<i32: 1>} : vector<768x12xi32>
    %eq3A = arith.cmpi eq, %select_n3A_81, %iota3A_82 : vector<768x12xi32>
    %convert_element_type3A_83 = arith.extui %eq3A : vector<768x12xi1> to vector<768x12xi32>
    %convert_element_type3A_84 = arith.sitofp %convert_element_type3A_83 : vector<768x12xi32> to vector<768x12xf32>
    %iota3A_85 = tpu.iota {dimensions = array<i32: 0>} : vector<128x1xi32>
    %add3A_86 = vector.broadcast %multiple_of3A : i32 to vector<128x1xi32>
    %add3A_87 = arith.addi %iota3A_85, %add3A_86 : vector<128x1xi32>
    %iota3A_88 = tpu.iota {dimensions = array<i32: 0>} : vector<128x1xi32>
    %slice3A = vector.extract_strided_slice %get3A_40 {offsets = [6, 0], sizes = [128, 768], strides = [1, 1]} : vector<144x768xbf16> to vector<128x768xbf16>
    %convert_element_type3A_89 = arith.extf %slice3A : vector<128x768xbf16> to vector<128x768xf32>
    %mul3A_90 = arith.mulf %convert_element_type3A, %convert_element_type3A_89 : vector<128x768xf32>
    %dot_general3A = arith.constant dense<0.000000e+00> : vector<128x12xf32>
    %dot_general3A_91 = tpu.matmul %mul3A_90, %convert_element_type3A_84, %dot_general3A {dimension_numbers = #tpu.dot_dimension_numbers<[1], [0], [0], [1], [0, 0, 1, 1], [], []>, transpose_lhs_hint = false} : vector<128x768xf32>, vector<768x12xf32>, vector<128x12xf32> -> vector<128x12xf32>
    %add3A_92 = arith.constant -2 : i32
    %add3A_93 = vector.broadcast %add3A_92 : i32 to vector<128x1xi32>
    %add3A_94 = arith.addi %add3A_87, %add3A_93 : vector<128x1xi32>
    %ge3A = vector.broadcast %select_n3A_16 : i32 to vector<128x1xi32>
    %ge3A_95 = arith.cmpi sge, %add3A_94, %ge3A : vector<128x1xi32>
    %add3A_96 = arith.constant -2 : i32
    %add3A_97 = vector.broadcast %add3A_96 : i32 to vector<128x1xi32>
    %add3A_98 = arith.addi %add3A_87, %add3A_97 : vector<128x1xi32>
    %lt3A_99 = vector.broadcast %select_n3A_29 : i32 to vector<128x1xi32>
    %lt3A_100 = arith.cmpi slt, %add3A_98, %lt3A_99 : vector<128x1xi32>
    %and3A_101 = arith.andi %ge3A_95, %lt3A_100 : vector<128x1xi1>
    %jit3A_102 = arith.constant -1.000000e+09 : f32
    %broadcast_in_dim3A_103 = vector.shape_cast %and3A_101 : vector<128x1xi1> to vector<128x1xi1>
    %broadcast_in_dim3A_104 = vector.broadcast %broadcast_in_dim3A_103 : vector<128x1xi1> to vector<128x12xi1>
    %broadcast_in_dim3A_105 = vector.broadcast %jit3A_102 : f32 to vector<128x12xf32>
    %select_n3A_106 = arith.select %broadcast_in_dim3A_104, %dot_general3A_91, %broadcast_in_dim3A_105 : vector<128x12xi1>, vector<128x12xf32>
    %slice3A_107 = vector.extract_strided_slice %get3A_43 {offsets = [6, 0], sizes = [128, 768], strides = [1, 1]} : vector<144x768xbf16> to vector<128x768xbf16>
    %convert_element_type3A_108 = arith.extf %slice3A_107 : vector<128x768xbf16> to vector<128x768xf32>
    %slice3A_109 = vector.extract_strided_slice %get3A_40 {offsets = [7, 0], sizes = [128, 768], strides = [1, 1]} : vector<144x768xbf16> to vector<128x768xbf16>
    %convert_element_type3A_110 = arith.extf %slice3A_109 : vector<128x768xbf16> to vector<128x768xf32>
    %mul3A_111 = arith.mulf %convert_element_type3A, %convert_element_type3A_110 : vector<128x768xf32>
    %dot_general3A_112 = arith.constant dense<0.000000e+00> : vector<128x12xf32>
    %dot_general3A_113 = tpu.matmul %mul3A_111, %convert_element_type3A_84, %dot_general3A_112 {dimension_numbers = #tpu.dot_dimension_numbers<[1], [0], [0], [1], [0, 0, 1, 1], [], []>, transpose_lhs_hint = false} : vector<128x768xf32>, vector<768x12xf32>, vector<128x12xf32> -> vector<128x12xf32>
    %add3A_114 = arith.constant -1 : i32
    %add3A_115 = vector.broadcast %add3A_114 : i32 to vector<128x1xi32>
    %add3A_116 = arith.addi %add3A_87, %add3A_115 : vector<128x1xi32>
    %ge3A_117 = vector.broadcast %select_n3A_16 : i32 to vector<128x1xi32>
    %ge3A_118 = arith.cmpi sge, %add3A_116, %ge3A_117 : vector<128x1xi32>
    %add3A_119 = arith.constant -1 : i32
    %add3A_120 = vector.broadcast %add3A_119 : i32 to vector<128x1xi32>
    %add3A_121 = arith.addi %add3A_87, %add3A_120 : vector<128x1xi32>
    %lt3A_122 = vector.broadcast %select_n3A_29 : i32 to vector<128x1xi32>
    %lt3A_123 = arith.cmpi slt, %add3A_121, %lt3A_122 : vector<128x1xi32>
    %and3A_124 = arith.andi %ge3A_118, %lt3A_123 : vector<128x1xi1>
    %jit3A_125 = arith.constant -1.000000e+09 : f32
    %broadcast_in_dim3A_126 = vector.shape_cast %and3A_124 : vector<128x1xi1> to vector<128x1xi1>
    %broadcast_in_dim3A_127 = vector.broadcast %broadcast_in_dim3A_126 : vector<128x1xi1> to vector<128x12xi1>
    %broadcast_in_dim3A_128 = vector.broadcast %jit3A_125 : f32 to vector<128x12xf32>
    %select_n3A_129 = arith.select %broadcast_in_dim3A_127, %dot_general3A_113, %broadcast_in_dim3A_128 : vector<128x12xi1>, vector<128x12xf32>
    %slice3A_130 = vector.extract_strided_slice %get3A_43 {offsets = [7, 0], sizes = [128, 768], strides = [1, 1]} : vector<144x768xbf16> to vector<128x768xbf16>
    %convert_element_type3A_131 = arith.extf %slice3A_130 : vector<128x768xbf16> to vector<128x768xf32>
    %slice3A_132 = vector.extract_strided_slice %get3A_40 {offsets = [8, 0], sizes = [128, 768], strides = [1, 1]} : vector<144x768xbf16> to vector<128x768xbf16>
    %convert_element_type3A_133 = arith.extf %slice3A_132 : vector<128x768xbf16> to vector<128x768xf32>
    %mul3A_134 = arith.mulf %convert_element_type3A, %convert_element_type3A_133 : vector<128x768xf32>
    %dot_general3A_135 = arith.constant dense<0.000000e+00> : vector<128x12xf32>
    %dot_general3A_136 = tpu.matmul %mul3A_134, %convert_element_type3A_84, %dot_general3A_135 {dimension_numbers = #tpu.dot_dimension_numbers<[1], [0], [0], [1], [0, 0, 1, 1], [], []>, transpose_lhs_hint = false} : vector<128x768xf32>, vector<768x12xf32>, vector<128x12xf32> -> vector<128x12xf32>
    %add3A_137 = arith.constant 0 : i32
    %add3A_138 = vector.broadcast %add3A_137 : i32 to vector<128x1xi32>
    %add3A_139 = arith.addi %add3A_87, %add3A_138 : vector<128x1xi32>
    %ge3A_140 = vector.broadcast %select_n3A_16 : i32 to vector<128x1xi32>
    %ge3A_141 = arith.cmpi sge, %add3A_139, %ge3A_140 : vector<128x1xi32>
    %add3A_142 = arith.constant 0 : i32
    %add3A_143 = vector.broadcast %add3A_142 : i32 to vector<128x1xi32>
    %add3A_144 = arith.addi %add3A_87, %add3A_143 : vector<128x1xi32>
    %lt3A_145 = vector.broadcast %select_n3A_29 : i32 to vector<128x1xi32>
    %lt3A_146 = arith.cmpi slt, %add3A_144, %lt3A_145 : vector<128x1xi32>
    %and3A_147 = arith.andi %ge3A_141, %lt3A_146 : vector<128x1xi1>
    %jit3A_148 = arith.constant -1.000000e+09 : f32
    %broadcast_in_dim3A_149 = vector.shape_cast %and3A_147 : vector<128x1xi1> to vector<128x1xi1>
    %broadcast_in_dim3A_150 = vector.broadcast %broadcast_in_dim3A_149 : vector<128x1xi1> to vector<128x12xi1>
    %broadcast_in_dim3A_151 = vector.broadcast %jit3A_148 : f32 to vector<128x12xf32>
    %select_n3A_152 = arith.select %broadcast_in_dim3A_150, %dot_general3A_136, %broadcast_in_dim3A_151 : vector<128x12xi1>, vector<128x12xf32>
    %slice3A_153 = vector.extract_strided_slice %get3A_43 {offsets = [8, 0], sizes = [128, 768], strides = [1, 1]} : vector<144x768xbf16> to vector<128x768xbf16>
    %convert_element_type3A_154 = arith.extf %slice3A_153 : vector<128x768xbf16> to vector<128x768xf32>
    %slice3A_155 = vector.extract_strided_slice %get3A_40 {offsets = [9, 0], sizes = [128, 768], strides = [1, 1]} : vector<144x768xbf16> to vector<128x768xbf16>
    %convert_element_type3A_156 = arith.extf %slice3A_155 : vector<128x768xbf16> to vector<128x768xf32>
    %mul3A_157 = arith.mulf %convert_element_type3A, %convert_element_type3A_156 : vector<128x768xf32>
    %dot_general3A_158 = arith.constant dense<0.000000e+00> : vector<128x12xf32>
    %dot_general3A_159 = tpu.matmul %mul3A_157, %convert_element_type3A_84, %dot_general3A_158 {dimension_numbers = #tpu.dot_dimension_numbers<[1], [0], [0], [1], [0, 0, 1, 1], [], []>, transpose_lhs_hint = false} : vector<128x768xf32>, vector<768x12xf32>, vector<128x12xf32> -> vector<128x12xf32>
    %add3A_160 = arith.constant 1 : i32
    %add3A_161 = vector.broadcast %add3A_160 : i32 to vector<128x1xi32>
    %add3A_162 = arith.addi %add3A_87, %add3A_161 : vector<128x1xi32>
    %ge3A_163 = vector.broadcast %select_n3A_16 : i32 to vector<128x1xi32>
    %ge3A_164 = arith.cmpi sge, %add3A_162, %ge3A_163 : vector<128x1xi32>
    %add3A_165 = arith.constant 1 : i32
    %add3A_166 = vector.broadcast %add3A_165 : i32 to vector<128x1xi32>
    %add3A_167 = arith.addi %add3A_87, %add3A_166 : vector<128x1xi32>
    %lt3A_168 = vector.broadcast %select_n3A_29 : i32 to vector<128x1xi32>
    %lt3A_169 = arith.cmpi slt, %add3A_167, %lt3A_168 : vector<128x1xi32>
    %and3A_170 = arith.andi %ge3A_164, %lt3A_169 : vector<128x1xi1>
    %jit3A_171 = arith.constant -1.000000e+09 : f32
    %broadcast_in_dim3A_172 = vector.shape_cast %and3A_170 : vector<128x1xi1> to vector<128x1xi1>
    %broadcast_in_dim3A_173 = vector.broadcast %broadcast_in_dim3A_172 : vector<128x1xi1> to vector<128x12xi1>
    %broadcast_in_dim3A_174 = vector.broadcast %jit3A_171 : f32 to vector<128x12xf32>
    %select_n3A_175 = arith.select %broadcast_in_dim3A_173, %dot_general3A_159, %broadcast_in_dim3A_174 : vector<128x12xi1>, vector<128x12xf32>
    %slice3A_176 = vector.extract_strided_slice %get3A_43 {offsets = [9, 0], sizes = [128, 768], strides = [1, 1]} : vector<144x768xbf16> to vector<128x768xbf16>
    %convert_element_type3A_177 = arith.extf %slice3A_176 : vector<128x768xbf16> to vector<128x768xf32>
    %slice3A_178 = vector.extract_strided_slice %get3A_40 {offsets = [10, 0], sizes = [128, 768], strides = [1, 1]} : vector<144x768xbf16> to vector<128x768xbf16>
    %convert_element_type3A_179 = arith.extf %slice3A_178 : vector<128x768xbf16> to vector<128x768xf32>
    %mul3A_180 = arith.mulf %convert_element_type3A, %convert_element_type3A_179 : vector<128x768xf32>
    %dot_general3A_181 = arith.constant dense<0.000000e+00> : vector<128x12xf32>
    %dot_general3A_182 = tpu.matmul %mul3A_180, %convert_element_type3A_84, %dot_general3A_181 {dimension_numbers = #tpu.dot_dimension_numbers<[1], [0], [0], [1], [0, 0, 1, 1], [], []>, transpose_lhs_hint = false} : vector<128x768xf32>, vector<768x12xf32>, vector<128x12xf32> -> vector<128x12xf32>
    %add3A_183 = arith.constant 2 : i32
    %add3A_184 = vector.broadcast %add3A_183 : i32 to vector<128x1xi32>
    %add3A_185 = arith.addi %add3A_87, %add3A_184 : vector<128x1xi32>
    %ge3A_186 = vector.broadcast %select_n3A_16 : i32 to vector<128x1xi32>
    %ge3A_187 = arith.cmpi sge, %add3A_185, %ge3A_186 : vector<128x1xi32>
    %add3A_188 = arith.constant 2 : i32
    %add3A_189 = vector.broadcast %add3A_188 : i32 to vector<128x1xi32>
    %add3A_190 = arith.addi %add3A_87, %add3A_189 : vector<128x1xi32>
    %lt3A_191 = vector.broadcast %select_n3A_29 : i32 to vector<128x1xi32>
    %lt3A_192 = arith.cmpi slt, %add3A_190, %lt3A_191 : vector<128x1xi32>
    %and3A_193 = arith.andi %ge3A_187, %lt3A_192 : vector<128x1xi1>
    %jit3A_194 = arith.constant -1.000000e+09 : f32
    %broadcast_in_dim3A_195 = vector.shape_cast %and3A_193 : vector<128x1xi1> to vector<128x1xi1>
    %broadcast_in_dim3A_196 = vector.broadcast %broadcast_in_dim3A_195 : vector<128x1xi1> to vector<128x12xi1>
    %broadcast_in_dim3A_197 = vector.broadcast %jit3A_194 : f32 to vector<128x12xf32>
    %select_n3A_198 = arith.select %broadcast_in_dim3A_196, %dot_general3A_182, %broadcast_in_dim3A_197 : vector<128x12xi1>, vector<128x12xf32>
    %slice3A_199 = vector.extract_strided_slice %get3A_43 {offsets = [10, 0], sizes = [128, 768], strides = [1, 1]} : vector<144x768xbf16> to vector<128x768xbf16>
    %convert_element_type3A_200 = arith.extf %slice3A_199 : vector<128x768xbf16> to vector<128x768xf32>
    %mul3A_201 = arith.mulf %convert_element_type3A, %convert_element_type3A_48 : vector<128x768xf32>
    %dot_general3A_202 = arith.constant dense<0.000000e+00> : vector<128x12xf32>
    %dot_general3A_203 = tpu.matmul %mul3A_201, %convert_element_type3A_84, %dot_general3A_202 {dimension_numbers = #tpu.dot_dimension_numbers<[1], [0], [0], [1], [0, 0, 1, 1], [], []>, transpose_lhs_hint = false} : vector<128x768xf32>, vector<768x12xf32>, vector<128x12xf32> -> vector<128x12xf32>
    %jit3A_204 = arith.constant -1.000000e+09 : f32
    %broadcast_in_dim3A_205 = vector.broadcast %jit3A_204 : f32 to vector<128x12xf32>
    %select_n3A_206 = arith.select %ne3A_30, %dot_general3A_203, %broadcast_in_dim3A_205 : vector<128x12xf32>
    %lt3A_207 = arith.constant 16 : i32
    %lt3A_208 = arith.cmpi slt, %arg0, %lt3A_207 : i32
    %convert_element_type3A_209 = arith.extui %lt3A_208 : i1 to i32
    %cond3A = arith.constant 0 : i32
    %cond3A_210 = arith.cmpi ne, %convert_element_type3A_209, %cond3A : i32
    scf.if %cond3A_210 {
      %iota3A_216 = tpu.iota {dimensions = array<i32: 0>} : vector<12x768xi32>
      %iota3A_217 = tpu.iota {dimensions = array<i32: 1>} : vector<12x768xi32>
      %jit3A_218 = arith.constant 64 : i32
      %div3A_219 = vector.broadcast %jit3A_218 : i32 to vector<12x768xi32>
      %div3A_220 = arith.divsi %iota3A_217, %div3A_219 : vector<12x768xi32>
      %sign3A_221 = arith.constant 0 : i32
      %sign3A_222 = vector.broadcast %sign3A_221 : i32 to vector<12x768xi32>
      %sign3A_223 = arith.cmpi sgt, %iota3A_217, %sign3A_222 : vector<12x768xi32>
      %sign3A_224 = arith.extui %sign3A_223 : vector<12x768xi1> to vector<12x768xi32>
      %sign3A_225 = arith.constant 0 : i32
      %sign3A_226 = vector.broadcast %sign3A_225 : i32 to vector<12x768xi32>
      %sign3A_227 = arith.cmpi slt, %iota3A_217, %sign3A_226 : vector<12x768xi32>
      %sign3A_228 = arith.extui %sign3A_227 : vector<12x768xi1> to vector<12x768xi32>
      %sign3A_229 = arith.subi %sign3A_224, %sign3A_228 : vector<12x768xi32>
      %sign3A_230 = arith.constant 0 : i32
      %sign3A_231 = arith.cmpi sgt, %jit3A_218, %sign3A_230 : i32
      %sign3A_232 = arith.extui %sign3A_231 : i1 to i32
      %sign3A_233 = arith.constant 0 : i32
      %sign3A_234 = arith.cmpi slt, %jit3A_218, %sign3A_233 : i32
      %sign3A_235 = arith.extui %sign3A_234 : i1 to i32
      %sign3A_236 = arith.subi %sign3A_232, %sign3A_235 : i32
      %ne3A_237 = vector.broadcast %sign3A_236 : i32 to vector<12x768xi32>
      %ne3A_238 = arith.cmpi ne, %sign3A_229, %ne3A_237 : vector<12x768xi32>
      %rem3A_239 = vector.broadcast %jit3A_218 : i32 to vector<12x768xi32>
      %rem3A_240 = arith.remsi %iota3A_217, %rem3A_239 : vector<12x768xi32>
      %ne3A_241 = arith.constant 0 : i32
      %ne3A_242 = vector.broadcast %ne3A_241 : i32 to vector<12x768xi32>
      %ne3A_243 = arith.cmpi ne, %rem3A_240, %ne3A_242 : vector<12x768xi32>
      %and3A_244 = arith.andi %ne3A_238, %ne3A_243 : vector<12x768xi1>
      %sub3A_245 = arith.constant 1 : i32
      %sub3A_246 = vector.broadcast %sub3A_245 : i32 to vector<12x768xi32>
      %sub3A_247 = arith.subi %div3A_220, %sub3A_246 : vector<12x768xi32>
      %select_n3A_248 = arith.select %and3A_244, %sub3A_247, %div3A_220 : vector<12x768xi1>, vector<12x768xi32>
      %eq3A_249 = arith.cmpi eq, %iota3A_216, %select_n3A_248 : vector<12x768xi32>
      %convert_element_type3A_250 = arith.extui %eq3A_249 : vector<12x768xi1> to vector<12x768xi32>
      %convert_element_type3A_251 = arith.sitofp %convert_element_type3A_250 : vector<12x768xi32> to vector<12x768xf32>
      %max3A = arith.maximumf %select_n3A_106, %select_n3A_129 : vector<128x12xf32>
      %max3A_252 = arith.maximumf %max3A, %select_n3A_152 : vector<128x12xf32>
      %max3A_253 = arith.maximumf %max3A_252, %select_n3A_175 : vector<128x12xf32>
      %max3A_254 = arith.maximumf %max3A_253, %select_n3A_198 : vector<128x12xf32>
      %max3A_255 = arith.maximumf %max3A_254, %select_n3A_206 : vector<128x12xf32>
      %sub3A_256 = arith.subf %select_n3A_106, %max3A_255 : vector<128x12xf32>
      %exp3A = math.exp %sub3A_256 : vector<128x12xf32>
      %sub3A_257 = arith.subf %select_n3A_129, %max3A_255 : vector<128x12xf32>
      %exp3A_258 = math.exp %sub3A_257 : vector<128x12xf32>
      %sub3A_259 = arith.subf %select_n3A_152, %max3A_255 : vector<128x12xf32>
      %exp3A_260 = math.exp %sub3A_259 : vector<128x12xf32>
      %sub3A_261 = arith.subf %select_n3A_175, %max3A_255 : vector<128x12xf32>
      %exp3A_262 = math.exp %sub3A_261 : vector<128x12xf32>
      %sub3A_263 = arith.subf %select_n3A_198, %max3A_255 : vector<128x12xf32>
      %exp3A_264 = math.exp %sub3A_263 : vector<128x12xf32>
      %sub3A_265 = arith.subf %select_n3A_206, %max3A_255 : vector<128x12xf32>
      %exp3A_266 = math.exp %sub3A_265 : vector<128x12xf32>
      %add3A_267 = arith.addf %exp3A, %exp3A_258 : vector<128x12xf32>
      %add3A_268 = arith.addf %add3A_267, %exp3A_260 : vector<128x12xf32>
      %add3A_269 = arith.addf %add3A_268, %exp3A_262 : vector<128x12xf32>
      %add3A_270 = arith.addf %add3A_269, %exp3A_264 : vector<128x12xf32>
      %add3A_271 = arith.addf %add3A_270, %exp3A_266 : vector<128x12xf32>
      %div3A_272 = arith.divf %exp3A, %add3A_271 : vector<128x12xf32>
      %dot_general3A_273 = arith.constant dense<0.000000e+00> : vector<128x768xf32>
      %dot_general3A_274 = tpu.matmul %div3A_272, %convert_element_type3A_251, %dot_general3A_273 {dimension_numbers = #tpu.dot_dimension_numbers<[1], [0], [0], [1], [0, 0, 1, 1], [], []>, transpose_lhs_hint = false} : vector<128x12xf32>, vector<12x768xf32>, vector<128x768xf32> -> vector<128x768xf32>
      %mul3A_275 = arith.mulf %dot_general3A_274, %convert_element_type3A_108 : vector<128x768xf32>
      %div3A_276 = arith.divf %exp3A_258, %add3A_271 : vector<128x12xf32>
      %dot_general3A_277 = arith.constant dense<0.000000e+00> : vector<128x768xf32>
      %dot_general3A_278 = tpu.matmul %div3A_276, %convert_element_type3A_251, %dot_general3A_277 {dimension_numbers = #tpu.dot_dimension_numbers<[1], [0], [0], [1], [0, 0, 1, 1], [], []>, transpose_lhs_hint = false} : vector<128x12xf32>, vector<12x768xf32>, vector<128x768xf32> -> vector<128x768xf32>
      %mul3A_279 = arith.mulf %dot_general3A_278, %convert_element_type3A_131 : vector<128x768xf32>
      %add3A_280 = arith.addf %mul3A_275, %mul3A_279 : vector<128x768xf32>
      %div3A_281 = arith.divf %exp3A_260, %add3A_271 : vector<128x12xf32>
      %dot_general3A_282 = arith.constant dense<0.000000e+00> : vector<128x768xf32>
      %dot_general3A_283 = tpu.matmul %div3A_281, %convert_element_type3A_251, %dot_general3A_282 {dimension_numbers = #tpu.dot_dimension_numbers<[1], [0], [0], [1], [0, 0, 1, 1], [], []>, transpose_lhs_hint = false} : vector<128x12xf32>, vector<12x768xf32>, vector<128x768xf32> -> vector<128x768xf32>
      %mul3A_284 = arith.mulf %dot_general3A_283, %convert_element_type3A_154 : vector<128x768xf32>
      %add3A_285 = arith.addf %add3A_280, %mul3A_284 : vector<128x768xf32>
      %div3A_286 = arith.divf %exp3A_262, %add3A_271 : vector<128x12xf32>
      %dot_general3A_287 = arith.constant dense<0.000000e+00> : vector<128x768xf32>
      %dot_general3A_288 = tpu.matmul %div3A_286, %convert_element_type3A_251, %dot_general3A_287 {dimension_numbers = #tpu.dot_dimension_numbers<[1], [0], [0], [1], [0, 0, 1, 1], [], []>, transpose_lhs_hint = false} : vector<128x12xf32>, vector<12x768xf32>, vector<128x768xf32> -> vector<128x768xf32>
      %mul3A_289 = arith.mulf %dot_general3A_288, %convert_element_type3A_177 : vector<128x768xf32>
      %add3A_290 = arith.addf %add3A_285, %mul3A_289 : vector<128x768xf32>
      %div3A_291 = arith.divf %exp3A_264, %add3A_271 : vector<128x12xf32>
      %dot_general3A_292 = arith.constant dense<0.000000e+00> : vector<128x768xf32>
      %dot_general3A_293 = tpu.matmul %div3A_291, %convert_element_type3A_251, %dot_general3A_292 {dimension_numbers = #tpu.dot_dimension_numbers<[1], [0], [0], [1], [0, 0, 1, 1], [], []>, transpose_lhs_hint = false} : vector<128x12xf32>, vector<12x768xf32>, vector<128x768xf32> -> vector<128x768xf32>
      %mul3A_294 = arith.mulf %dot_general3A_293, %convert_element_type3A_200 : vector<128x768xf32>
      %add3A_295 = arith.addf %add3A_290, %mul3A_294 : vector<128x768xf32>
      %div3A_296 = arith.divf %exp3A_266, %add3A_271 : vector<128x12xf32>
      %dot_general3A_297 = arith.constant dense<0.000000e+00> : vector<128x768xf32>
      %dot_general3A_298 = tpu.matmul %div3A_296, %convert_element_type3A_251, %dot_general3A_297 {dimension_numbers = #tpu.dot_dimension_numbers<[1], [0], [0], [1], [0, 0, 1, 1], [], []>, transpose_lhs_hint = false} : vector<128x12xf32>, vector<12x768xf32>, vector<128x768xf32> -> vector<128x768xf32>
      %mul3A_299 = arith.mulf %dot_general3A_298, %convert_element_type3A_55 : vector<128x768xf32>
      %add3A_300 = arith.addf %add3A_295, %mul3A_299 : vector<128x768xf32>
      %convert_element_type3A_301 = arith.truncf %add3A_300 : vector<128x768xf32> to vector<128x768xbf16>
      %get3A_302 = arith.constant 0 : index
      %get3A_303 = arith.constant 0 : index
      %get3A_304 = vector.load %arg5[%get3A_302, %get3A_303] : memref<768x768xbf16, #tpu.memory_space<vmem>>, vector<768x768xbf16>
      %dot_general3A_305 = arith.constant dense<0.000000e+00> : vector<128x768xf32>
      %dot_general3A_306 = tpu.matmul %convert_element_type3A_301, %get3A_304, %dot_general3A_305 {dimension_numbers = #tpu.dot_dimension_numbers<[1], [0], [0], [1], [0, 0, 1, 1], [], []>, transpose_lhs_hint = false} : vector<128x768xbf16>, vector<768x768xbf16>, vector<128x768xf32> -> vector<128x768xf32>
      %get3A_307 = arith.constant 0 : index
      %get3A_308 = arith.constant 0 : index
      %get3A_309 = vector.load %arg6[%get3A_307, %get3A_308] : memref<1x768xf32, #tpu.memory_space<vmem>>, vector<1x768xf32>
      %add3A_310 = vector.broadcast %get3A_309 : vector<1x768xf32> to vector<128x768xf32>
      %add3A_311 = arith.addf %dot_general3A_306, %add3A_310 : vector<128x768xf32>
      %get3A_312 = arith.constant 0 : index
      %get3A_313 = arith.constant 0 : index
      %get3A_314 = vector.load %arg4[%get3A_312, %get3A_313] : memref<128x768xf32, #tpu.memory_space<vmem>>, vector<128x768xf32>
      %add3A_315 = arith.addf %add3A_311, %get3A_314 : vector<128x768xf32>
      %reduce_sum3A = arith.constant dense<0.000000e+00> : vector<128xf32>
      %reduce_sum3A_316 = vector.multi_reduction <add>, %add3A_315, %reduce_sum3A [1] : vector<128x768xf32> to vector<128xf32>
      %broadcast_in_dim3A_317 = vector.shape_cast %reduce_sum3A_316 : vector<128xf32> to vector<128x1xf32>
      %div3A_318 = arith.constant 7.680000e+02 : f32
      %div3A_319 = vector.broadcast %div3A_318 : f32 to vector<128x1xf32>
      %div3A_320 = arith.divf %broadcast_in_dim3A_317, %div3A_319 : vector<128x1xf32>
      %sub3A_321 = vector.broadcast %div3A_320 : vector<128x1xf32> to vector<128x768xf32>
      %sub3A_322 = arith.subf %add3A_315, %sub3A_321 : vector<128x768xf32>
      %sub3A_323 = vector.broadcast %div3A_320 : vector<128x1xf32> to vector<128x768xf32>
      %sub3A_324 = arith.subf %add3A_315, %sub3A_323 : vector<128x768xf32>
      %mul3A_325 = arith.mulf %sub3A_322, %sub3A_324 : vector<128x768xf32>
      %reduce_sum3A_326 = arith.constant dense<0.000000e+00> : vector<128xf32>
      %reduce_sum3A_327 = vector.multi_reduction <add>, %mul3A_325, %reduce_sum3A_326 [1] : vector<128x768xf32> to vector<128xf32>
      %broadcast_in_dim3A_328 = vector.shape_cast %reduce_sum3A_327 : vector<128xf32> to vector<128x1xf32>
      %div3A_329 = arith.constant 7.680000e+02 : f32
      %div3A_330 = vector.broadcast %div3A_329 : f32 to vector<128x1xf32>
      %div3A_331 = arith.divf %broadcast_in_dim3A_328, %div3A_330 : vector<128x1xf32>
      %sub3A_332 = vector.broadcast %div3A_320 : vector<128x1xf32> to vector<128x768xf32>
      %sub3A_333 = arith.subf %add3A_315, %sub3A_332 : vector<128x768xf32>
      %add3A_334 = arith.constant 9.99999974E-6 : f32
      %add3A_335 = vector.broadcast %add3A_334 : f32 to vector<128x1xf32>
      %add3A_336 = arith.addf %div3A_331, %add3A_335 : vector<128x1xf32>
      %rsqrt3A = math.rsqrt %add3A_336 : vector<128x1xf32>
      %mul3A_337 = vector.broadcast %rsqrt3A : vector<128x1xf32> to vector<128x768xf32>
      %mul3A_338 = arith.mulf %sub3A_333, %mul3A_337 : vector<128x768xf32>
      %swap3A = arith.constant 0 : index
      %swap3A_339 = arith.constant 0 : index
      %swap3A_340 = vector.load %arg7[%swap3A, %swap3A_339] : memref<128x768xf32, #tpu.memory_space<vmem>>, vector<128x768xf32>
      tpu.vector_store %arg7[%swap3A, %swap3A_339], %mul3A_338 {strides = array<i32>} : memref<128x768xf32, #tpu.memory_space<vmem>>, vector<128x768xf32>,
    } else {
    }
    %ge3A_211 = arith.constant 16 : i32
    %ge3A_212 = arith.cmpi sge, %arg0, %ge3A_211 : i32
    %convert_element_type3A_213 = arith.extui %ge3A_212 : i1 to i32
    %cond3A_214 = arith.constant 0 : i32
    %cond3A_215 = arith.cmpi ne, %convert_element_type3A_213, %cond3A_214 : i32
    scf.if %cond3A_215 {
      %mul3A_216 = arith.constant 512 : i32
      %mul3A_217 = arith.muli %mul3A_216, %arg0 : i32
      %sub3A_218 = arith.constant 8192 : i32
      %sub3A_219 = arith.subi %mul3A_217, %sub3A_218 : i32
      %max3A = arith.constant 0 : i32
      %max3A_220 = arith.maxsi %sub3A_219, %max3A : i32
      %add3A_221 = arith.constant 8 : i32
      %add3A_222 = arith.addi %max3A_220, %add3A_221 : i32
      %multiple_of3A_223 = tpu.assume_multiple %add3A_222, 8 : i32
      %get3A_224 = arith.index_cast %multiple_of3A_223 : i32 to index
      %get3A_225 = arith.constant 0 : index
      %get3A_226 = vector.load %arg2[%get3A_224, %get3A_225] : memref<3080x768xbf16, #tpu.memory_space<vmem>>, vector<512x768xbf16>
      %reshape3A_227 = vector.shape_cast %get3A_226 : vector<512x768xbf16> to vector<128x3072xbf16>
      %get3A_228 = arith.index_cast %multiple_of3A_223 : i32 to index
      %get3A_229 = arith.constant 0 : index
      %get3A_230 = vector.load %arg3[%get3A_228, %get3A_229] : memref<3080x768xbf16, #tpu.memory_space<vmem>>, vector<512x768xbf16>
      %reshape3A_231 = vector.shape_cast %get3A_230 : vector<512x768xbf16> to vector<128x3072xbf16>
      %slice3A_232 = vector.extract_strided_slice %reshape3A_227 {offsets = [0, 0], sizes = [128, 768], strides = [1, 1]} : vector<128x3072xbf16> to vector<128x768xbf16>
      %convert_element_type3A_233 = arith.extf %slice3A_232 : vector<128x768xbf16> to vector<128x768xf32>
      %mul3A_234 = arith.mulf %convert_element_type3A, %convert_element_type3A_233 : vector<128x768xf32>
      %dot_general3A_235 = arith.constant dense<0.000000e+00> : vector<128x12xf32>
      %dot_general3A_236 = tpu.matmul %mul3A_234, %convert_element_type3A_84, %dot_general3A_235 {dimension_numbers = #tpu.dot_dimension_numbers<[1], [0], [0], [1], [0, 0, 1, 1], [], []>, transpose_lhs_hint = false} : vector<128x768xf32>, vector<768x12xf32>, vector<128x12xf32> -> vector<128x12xf32>
      %mul3A_237 = arith.constant 4 : i32
      %mul3A_238 = vector.broadcast %mul3A_237 : i32 to vector<128x1xi32>
      %mul3A_239 = arith.muli %mul3A_238, %iota3A_88 : vector<128x1xi32>
      %add3A_240 = arith.constant 0 : i32
      %add3A_241 = vector.broadcast %add3A_240 : i32 to vector<128x1xi32>
      %add3A_242 = arith.addi %mul3A_239, %add3A_241 : vector<128x1xi32>
      %lt3A_243 = vector.broadcast %select_n3A_35 : i32 to vector<128x1xi32>
      %lt3A_244 = arith.cmpi slt, %add3A_242, %lt3A_243 : vector<128x1xi32>
      %jit3A_245 = arith.constant -1.000000e+09 : f32
      %broadcast_in_dim3A_246 = vector.shape_cast %lt3A_244 : vector<128x1xi1> to vector<128x1xi1>
      %broadcast_in_dim3A_247 = vector.broadcast %broadcast_in_dim3A_246 : vector<128x1xi1> to vector<128x12xi1>
      %broadcast_in_dim3A_248 = vector.broadcast %jit3A_245 : f32 to vector<128x12xf32>
      %select_n3A_249 = arith.select %broadcast_in_dim3A_247, %dot_general3A_236, %broadcast_in_dim3A_248 : vector<128x12xi1>, vector<128x12xf32>
      %slice3A_250 = vector.extract_strided_slice %reshape3A_231 {offsets = [0, 0], sizes = [128, 768], strides = [1, 1]} : vector<128x3072xbf16> to vector<128x768xbf16>
      %convert_element_type3A_251 = arith.extf %slice3A_250 : vector<128x768xbf16> to vector<128x768xf32>
      %slice3A_252 = vector.extract_strided_slice %reshape3A_227 {offsets = [0, 768], sizes = [128, 768], strides = [1, 1]} : vector<128x3072xbf16> to vector<128x768xbf16>
      %convert_element_type3A_253 = arith.extf %slice3A_252 : vector<128x768xbf16> to vector<128x768xf32>
      %mul3A_254 = arith.mulf %convert_element_type3A, %convert_element_type3A_253 : vector<128x768xf32>
      %dot_general3A_255 = arith.constant dense<0.000000e+00> : vector<128x12xf32>
      %dot_general3A_256 = tpu.matmul %mul3A_254, %convert_element_type3A_84, %dot_general3A_255 {dimension_numbers = #tpu.dot_dimension_numbers<[1], [0], [0], [1], [0, 0, 1, 1], [], []>, transpose_lhs_hint = false} : vector<128x768xf32>, vector<768x12xf32>, vector<128x12xf32> -> vector<128x12xf32>
      %mul3A_257 = arith.constant 4 : i32
      %mul3A_258 = vector.broadcast %mul3A_257 : i32 to vector<128x1xi32>
      %mul3A_259 = arith.muli %mul3A_258, %iota3A_88 : vector<128x1xi32>
      %add3A_260 = arith.constant 1 : i32
      %add3A_261 = vector.broadcast %add3A_260 : i32 to vector<128x1xi32>
      %add3A_262 = arith.addi %mul3A_259, %add3A_261 : vector<128x1xi32>
      %lt3A_263 = vector.broadcast %select_n3A_35 : i32 to vector<128x1xi32>
      %lt3A_264 = arith.cmpi slt, %add3A_262, %lt3A_263 : vector<128x1xi32>
      %jit3A_265 = arith.constant -1.000000e+09 : f32
      %broadcast_in_dim3A_266 = vector.shape_cast %lt3A_264 : vector<128x1xi1> to vector<128x1xi1>
      %broadcast_in_dim3A_267 = vector.broadcast %broadcast_in_dim3A_266 : vector<128x1xi1> to vector<128x12xi1>
      %broadcast_in_dim3A_268 = vector.broadcast %jit3A_265 : f32 to vector<128x12xf32>
      %select_n3A_269 = arith.select %broadcast_in_dim3A_267, %dot_general3A_256, %broadcast_in_dim3A_268 : vector<128x12xi1>, vector<128x12xf32>
      %slice3A_270 = vector.extract_strided_slice %reshape3A_231 {offsets = [0, 768], sizes = [128, 768], strides = [1, 1]} : vector<128x3072xbf16> to vector<128x768xbf16>
      %convert_element_type3A_271 = arith.extf %slice3A_270 : vector<128x768xbf16> to vector<128x768xf32>
      %slice3A_272 = vector.extract_strided_slice %reshape3A_227 {offsets = [0, 1536], sizes = [128, 768], strides = [1, 1]} : vector<128x3072xbf16> to vector<128x768xbf16>
      %convert_element_type3A_273 = arith.extf %slice3A_272 : vector<128x768xbf16> to vector<128x768xf32>
      %mul3A_274 = arith.mulf %convert_element_type3A, %convert_element_type3A_273 : vector<128x768xf32>
      %dot_general3A_275 = arith.constant dense<0.000000e+00> : vector<128x12xf32>
      %dot_general3A_276 = tpu.matmul %mul3A_274, %convert_element_type3A_84, %dot_general3A_275 {dimension_numbers = #tpu.dot_dimension_numbers<[1], [0], [0], [1], [0, 0, 1, 1], [], []>, transpose_lhs_hint = false} : vector<128x768xf32>, vector<768x12xf32>, vector<128x12xf32> -> vector<128x12xf32>
      %mul3A_277 = arith.constant 4 : i32
      %mul3A_278 = vector.broadcast %mul3A_277 : i32 to vector<128x1xi32>
      %mul3A_279 = arith.muli %mul3A_278, %iota3A_88 : vector<128x1xi32>
      %add3A_280 = arith.constant 2 : i32
      %add3A_281 = vector.broadcast %add3A_280 : i32 to vector<128x1xi32>
      %add3A_282 = arith.addi %mul3A_279, %add3A_281 : vector<128x1xi32>
      %lt3A_283 = vector.broadcast %select_n3A_35 : i32 to vector<128x1xi32>
      %lt3A_284 = arith.cmpi slt, %add3A_282, %lt3A_283 : vector<128x1xi32>
      %jit3A_285 = arith.constant -1.000000e+09 : f32
      %broadcast_in_dim3A_286 = vector.shape_cast %lt3A_284 : vector<128x1xi1> to vector<128x1xi1>
      %broadcast_in_dim3A_287 = vector.broadcast %broadcast_in_dim3A_286 : vector<128x1xi1> to vector<128x12xi1>
      %broadcast_in_dim3A_288 = vector.broadcast %jit3A_285 : f32 to vector<128x12xf32>
      %select_n3A_289 = arith.select %broadcast_in_dim3A_287, %dot_general3A_276, %broadcast_in_dim3A_288 : vector<128x12xi1>, vector<128x12xf32>
      %slice3A_290 = vector.extract_strided_slice %reshape3A_231 {offsets = [0, 1536], sizes = [128, 768], strides = [1, 1]} : vector<128x3072xbf16> to vector<128x768xbf16>
      %convert_element_type3A_291 = arith.extf %slice3A_290 : vector<128x768xbf16> to vector<128x768xf32>
      %slice3A_292 = vector.extract_strided_slice %reshape3A_227 {offsets = [0, 2304], sizes = [128, 768], strides = [1, 1]} : vector<128x3072xbf16> to vector<128x768xbf16>
      %convert_element_type3A_293 = arith.extf %slice3A_292 : vector<128x768xbf16> to vector<128x768xf32>
      %mul3A_294 = arith.mulf %convert_element_type3A, %convert_element_type3A_293 : vector<128x768xf32>
      %dot_general3A_295 = arith.constant dense<0.000000e+00> : vector<128x12xf32>
      %dot_general3A_296 = tpu.matmul %mul3A_294, %convert_element_type3A_84, %dot_general3A_295 {dimension_numbers = #tpu.dot_dimension_numbers<[1], [0], [0], [1], [0, 0, 1, 1], [], []>, transpose_lhs_hint = false} : vector<128x768xf32>, vector<768x12xf32>, vector<128x12xf32> -> vector<128x12xf32>
      %mul3A_297 = arith.constant 4 : i32
      %mul3A_298 = vector.broadcast %mul3A_297 : i32 to vector<128x1xi32>
      %mul3A_299 = arith.muli %mul3A_298, %iota3A_88 : vector<128x1xi32>
      %add3A_300 = arith.constant 3 : i32
      %add3A_301 = vector.broadcast %add3A_300 : i32 to vector<128x1xi32>
      %add3A_302 = arith.addi %mul3A_299, %add3A_301 : vector<128x1xi32>
      %lt3A_303 = vector.broadcast %select_n3A_35 : i32 to vector<128x1xi32>
      %lt3A_304 = arith.cmpi slt, %add3A_302, %lt3A_303 : vector<128x1xi32>
      %jit3A_305 = arith.constant -1.000000e+09 : f32
      %broadcast_in_dim3A_306 = vector.shape_cast %lt3A_304 : vector<128x1xi1> to vector<128x1xi1>
      %broadcast_in_dim3A_307 = vector.broadcast %broadcast_in_dim3A_306 : vector<128x1xi1> to vector<128x12xi1>
      %broadcast_in_dim3A_308 = vector.broadcast %jit3A_305 : f32 to vector<128x12xf32>
      %select_n3A_309 = arith.select %broadcast_in_dim3A_307, %dot_general3A_296, %broadcast_in_dim3A_308 : vector<128x12xi1>, vector<128x12xf32>
      %slice3A_310 = vector.extract_strided_slice %reshape3A_231 {offsets = [0, 2304], sizes = [128, 768], strides = [1, 1]} : vector<128x3072xbf16> to vector<128x768xbf16>
      %convert_element_type3A_311 = arith.extf %slice3A_310 : vector<128x768xbf16> to vector<128x768xf32>
      %iota3A_312 = tpu.iota {dimensions = array<i32: 0>} : vector<12x768xi32>
      %iota3A_313 = tpu.iota {dimensions = array<i32: 1>} : vector<12x768xi32>
      %jit3A_314 = arith.constant 64 : i32
      %div3A_315 = vector.broadcast %jit3A_314 : i32 to vector<12x768xi32>
      %div3A_316 = arith.divsi %iota3A_313, %div3A_315 : vector<12x768xi32>
      %sign3A_317 = arith.constant 0 : i32
      %sign3A_318 = vector.broadcast %sign3A_317 : i32 to vector<12x768xi32>
      %sign3A_319 = arith.cmpi sgt, %iota3A_313, %sign3A_318 : vector<12x768xi32>
      %sign3A_320 = arith.extui %sign3A_319 : vector<12x768xi1> to vector<12x768xi32>
      %sign3A_321 = arith.constant 0 : i32
      %sign3A_322 = vector.broadcast %sign3A_321 : i32 to vector<12x768xi32>
      %sign3A_323 = arith.cmpi slt, %iota3A_313, %sign3A_322 : vector<12x768xi32>
      %sign3A_324 = arith.extui %sign3A_323 : vector<12x768xi1> to vector<12x768xi32>
      %sign3A_325 = arith.subi %sign3A_320, %sign3A_324 : vector<12x768xi32>
      %sign3A_326 = arith.constant 0 : i32
      %sign3A_327 = arith.cmpi sgt, %jit3A_314, %sign3A_326 : i32
      %sign3A_328 = arith.extui %sign3A_327 : i1 to i32
      %sign3A_329 = arith.constant 0 : i32
      %sign3A_330 = arith.cmpi slt, %jit3A_314, %sign3A_329 : i32
      %sign3A_331 = arith.extui %sign3A_330 : i1 to i32
      %sign3A_332 = arith.subi %sign3A_328, %sign3A_331 : i32
      %ne3A_333 = vector.broadcast %sign3A_332 : i32 to vector<12x768xi32>
      %ne3A_334 = arith.cmpi ne, %sign3A_325, %ne3A_333 : vector<12x768xi32>
      %rem3A_335 = vector.broadcast %jit3A_314 : i32 to vector<12x768xi32>
      %rem3A_336 = arith.remsi %iota3A_313, %rem3A_335 : vector<12x768xi32>
      %ne3A_337 = arith.constant 0 : i32
      %ne3A_338 = vector.broadcast %ne3A_337 : i32 to vector<12x768xi32>
      %ne3A_339 = arith.cmpi ne, %rem3A_336, %ne3A_338 : vector<12x768xi32>
      %and3A_340 = arith.andi %ne3A_334, %ne3A_339 : vector<12x768xi1>
      %sub3A_341 = arith.constant 1 : i32
      %sub3A_342 = vector.broadcast %sub3A_341 : i32 to vector<12x768xi32>
      %sub3A_343 = arith.subi %div3A_316, %sub3A_342 : vector<12x768xi32>
      %select_n3A_344 = arith.select %and3A_340, %sub3A_343, %div3A_316 : vector<12x768xi1>, vector<12x768xi32>
      %eq3A_345 = arith.cmpi eq, %iota3A_312, %select_n3A_344 : vector<12x768xi32>
      %convert_element_type3A_346 = arith.extui %eq3A_345 : vector<12x768xi1> to vector<12x768xi32>
      %convert_element_type3A_347 = arith.sitofp %convert_element_type3A_346 : vector<12x768xi32> to vector<12x768xf32>
      %max3A_348 = arith.maximumf %select_n3A_106, %select_n3A_129 : vector<128x12xf32>
      %max3A_349 = arith.maximumf %max3A_348, %select_n3A_152 : vector<128x12xf32>
      %max3A_350 = arith.maximumf %max3A_349, %select_n3A_175 : vector<128x12xf32>
      %max3A_351 = arith.maximumf %max3A_350, %select_n3A_198 : vector<128x12xf32>
      %max3A_352 = arith.maximumf %max3A_351, %select_n3A_206 : vector<128x12xf32>
      %max3A_353 = arith.maximumf %max3A_352, %select_n3A_249 : vector<128x12xf32>
      %max3A_354 = arith.maximumf %max3A_353, %select_n3A_269 : vector<128x12xf32>
      %max3A_355 = arith.maximumf %max3A_354, %select_n3A_289 : vector<128x12xf32>
      %max3A_356 = arith.maximumf %max3A_355, %select_n3A_309 : vector<128x12xf32>
      %sub3A_357 = arith.subf %select_n3A_106, %max3A_356 : vector<128x12xf32>
      %exp3A = math.exp %sub3A_357 : vector<128x12xf32>
      %sub3A_358 = arith.subf %select_n3A_129, %max3A_356 : vector<128x12xf32>
      %exp3A_359 = math.exp %sub3A_358 : vector<128x12xf32>
      %sub3A_360 = arith.subf %select_n3A_152, %max3A_356 : vector<128x12xf32>
      %exp3A_361 = math.exp %sub3A_360 : vector<128x12xf32>
      %sub3A_362 = arith.subf %select_n3A_175, %max3A_356 : vector<128x12xf32>
      %exp3A_363 = math.exp %sub3A_362 : vector<128x12xf32>
      %sub3A_364 = arith.subf %select_n3A_198, %max3A_356 : vector<128x12xf32>
      %exp3A_365 = math.exp %sub3A_364 : vector<128x12xf32>
      %sub3A_366 = arith.subf %select_n3A_206, %max3A_356 : vector<128x12xf32>
      %exp3A_367 = math.exp %sub3A_366 : vector<128x12xf32>
      %sub3A_368 = arith.subf %select_n3A_249, %max3A_356 : vector<128x12xf32>
      %exp3A_369 = math.exp %sub3A_368 : vector<128x12xf32>
      %sub3A_370 = arith.subf %select_n3A_269, %max3A_356 : vector<128x12xf32>
      %exp3A_371 = math.exp %sub3A_370 : vector<128x12xf32>
      %sub3A_372 = arith.subf %select_n3A_289, %max3A_356 : vector<128x12xf32>
      %exp3A_373 = math.exp %sub3A_372 : vector<128x12xf32>
      %sub3A_374 = arith.subf %select_n3A_309, %max3A_356 : vector<128x12xf32>
      %exp3A_375 = math.exp %sub3A_374 : vector<128x12xf32>
      %add3A_376 = arith.addf %exp3A, %exp3A_359 : vector<128x12xf32>
      %add3A_377 = arith.addf %add3A_376, %exp3A_361 : vector<128x12xf32>
      %add3A_378 = arith.addf %add3A_377, %exp3A_363 : vector<128x12xf32>
      %add3A_379 = arith.addf %add3A_378, %exp3A_365 : vector<128x12xf32>
      %add3A_380 = arith.addf %add3A_379, %exp3A_367 : vector<128x12xf32>
      %add3A_381 = arith.addf %add3A_380, %exp3A_369 : vector<128x12xf32>
      %add3A_382 = arith.addf %add3A_381, %exp3A_371 : vector<128x12xf32>
      %add3A_383 = arith.addf %add3A_382, %exp3A_373 : vector<128x12xf32>
      %add3A_384 = arith.addf %add3A_383, %exp3A_375 : vector<128x12xf32>
      %div3A_385 = arith.divf %exp3A, %add3A_384 : vector<128x12xf32>
      %dot_general3A_386 = arith.constant dense<0.000000e+00> : vector<128x768xf32>
      %dot_general3A_387 = tpu.matmul %div3A_385, %convert_element_type3A_347, %dot_general3A_386 {dimension_numbers = #tpu.dot_dimension_numbers<[1], [0], [0], [1], [0, 0, 1, 1], [], []>, transpose_lhs_hint = false} : vector<128x12xf32>, vector<12x768xf32>, vector<128x768xf32> -> vector<128x768xf32>
      %mul3A_388 = arith.mulf %dot_general3A_387, %convert_element_type3A_108 : vector<128x768xf32>
      %div3A_389 = arith.divf %exp3A_359, %add3A_384 : vector<128x12xf32>
      %dot_general3A_390 = arith.constant dense<0.000000e+00> : vector<128x768xf32>
      %dot_general3A_391 = tpu.matmul %div3A_389, %convert_element_type3A_347, %dot_general3A_390 {dimension_numbers = #tpu.dot_dimension_numbers<[1], [0], [0], [1], [0, 0, 1, 1], [], []>, transpose_lhs_hint = false} : vector<128x12xf32>, vector<12x768xf32>, vector<128x768xf32> -> vector<128x768xf32>
      %mul3A_392 = arith.mulf %dot_general3A_391, %convert_element_type3A_131 : vector<128x768xf32>
      %add3A_393 = arith.addf %mul3A_388, %mul3A_392 : vector<128x768xf32>
      %div3A_394 = arith.divf %exp3A_361, %add3A_384 : vector<128x12xf32>
      %dot_general3A_395 = arith.constant dense<0.000000e+00> : vector<128x768xf32>
      %dot_general3A_396 = tpu.matmul %div3A_394, %convert_element_type3A_347, %dot_general3A_395 {dimension_numbers = #tpu.dot_dimension_numbers<[1], [0], [0], [1], [0, 0, 1, 1], [], []>, transpose_lhs_hint = false} : vector<128x12xf32>, vector<12x768xf32>, vector<128x768xf32> -> vector<128x768xf32>
      %mul3A_397 = arith.mulf %dot_general3A_396, %convert_element_type3A_154 : vector<128x768xf32>
      %add3A_398 = arith.addf %add3A_393, %mul3A_397 : vector<128x768xf32>
      %div3A_399 = arith.divf %exp3A_363, %add3A_384 : vector<128x12xf32>
      %dot_general3A_400 = arith.constant dense<0.000000e+00> : vector<128x768xf32>
      %dot_general3A_401 = tpu.matmul %div3A_399, %convert_element_type3A_347, %dot_general3A_400 {dimension_numbers = #tpu.dot_dimension_numbers<[1], [0], [0], [1], [0, 0, 1, 1], [], []>, transpose_lhs_hint = false} : vector<128x12xf32>, vector<12x768xf32>, vector<128x768xf32> -> vector<128x768xf32>
      %mul3A_402 = arith.mulf %dot_general3A_401, %convert_element_type3A_177 : vector<128x768xf32>
      %add3A_403 = arith.addf %add3A_398, %mul3A_402 : vector<128x768xf32>
      %div3A_404 = arith.divf %exp3A_365, %add3A_384 : vector<128x12xf32>
      %dot_general3A_405 = arith.constant dense<0.000000e+00> : vector<128x768xf32>
      %dot_general3A_406 = tpu.matmul %div3A_404, %convert_element_type3A_347, %dot_general3A_405 {dimension_numbers = #tpu.dot_dimension_numbers<[1], [0], [0], [1], [0, 0, 1, 1], [], []>, transpose_lhs_hint = false} : vector<128x12xf32>, vector<12x768xf32>, vector<128x768xf32> -> vector<128x768xf32>
      %mul3A_407 = arith.mulf %dot_general3A_406, %convert_element_type3A_200 : vector<128x768xf32>
      %add3A_408 = arith.addf %add3A_403, %mul3A_407 : vector<128x768xf32>
      %div3A_409 = arith.divf %exp3A_367, %add3A_384 : vector<128x12xf32>
      %dot_general3A_410 = arith.constant dense<0.000000e+00> : vector<128x768xf32>
      %dot_general3A_411 = tpu.matmul %div3A_409, %convert_element_type3A_347, %dot_general3A_410 {dimension_numbers = #tpu.dot_dimension_numbers<[1], [0], [0], [1], [0, 0, 1, 1], [], []>, transpose_lhs_hint = false} : vector<128x12xf32>, vector<12x768xf32>, vector<128x768xf32> -> vector<128x768xf32>
      %mul3A_412 = arith.mulf %dot_general3A_411, %convert_element_type3A_55 : vector<128x768xf32>
      %add3A_413 = arith.addf %add3A_408, %mul3A_412 : vector<128x768xf32>
      %div3A_414 = arith.divf %exp3A_369, %add3A_384 : vector<128x12xf32>
      %dot_general3A_415 = arith.constant dense<0.000000e+00> : vector<128x768xf32>
      %dot_general3A_416 = tpu.matmul %div3A_414, %convert_element_type3A_347, %dot_general3A_415 {dimension_numbers = #tpu.dot_dimension_numbers<[1], [0], [0], [1], [0, 0, 1, 1], [], []>, transpose_lhs_hint = false} : vector<128x12xf32>, vector<12x768xf32>, vector<128x768xf32> -> vector<128x768xf32>
      %mul3A_417 = arith.mulf %dot_general3A_416, %convert_element_type3A_251 : vector<128x768xf32>
      %add3A_418 = arith.addf %add3A_413, %mul3A_417 : vector<128x768xf32>
      %div3A_419 = arith.divf %exp3A_371, %add3A_384 : vector<128x12xf32>
      %dot_general3A_420 = arith.constant dense<0.000000e+00> : vector<128x768xf32>
      %dot_general3A_421 = tpu.matmul %div3A_419, %convert_element_type3A_347, %dot_general3A_420 {dimension_numbers = #tpu.dot_dimension_numbers<[1], [0], [0], [1], [0, 0, 1, 1], [], []>, transpose_lhs_hint = false} : vector<128x12xf32>, vector<12x768xf32>, vector<128x768xf32> -> vector<128x768xf32>
      %mul3A_422 = arith.mulf %dot_general3A_421, %convert_element_type3A_271 : vector<128x768xf32>
      %add3A_423 = arith.addf %add3A_418, %mul3A_422 : vector<128x768xf32>
      %div3A_424 = arith.divf %exp3A_373, %add3A_384 : vector<128x12xf32>
      %dot_general3A_425 = arith.constant dense<0.000000e+00> : vector<128x768xf32>
      %dot_general3A_426 = tpu.matmul %div3A_424, %convert_element_type3A_347, %dot_general3A_425 {dimension_numbers = #tpu.dot_dimension_numbers<[1], [0], [0], [1], [0, 0, 1, 1], [], []>, transpose_lhs_hint = false} : vector<128x12xf32>, vector<12x768xf32>, vector<128x768xf32> -> vector<128x768xf32>
      %mul3A_427 = arith.mulf %dot_general3A_426, %convert_element_type3A_291 : vector<128x768xf32>
      %add3A_428 = arith.addf %add3A_423, %mul3A_427 : vector<128x768xf32>
      %div3A_429 = arith.divf %exp3A_375, %add3A_384 : vector<128x12xf32>
      %dot_general3A_430 = arith.constant dense<0.000000e+00> : vector<128x768xf32>
      %dot_general3A_431 = tpu.matmul %div3A_429, %convert_element_type3A_347, %dot_general3A_430 {dimension_numbers = #tpu.dot_dimension_numbers<[1], [0], [0], [1], [0, 0, 1, 1], [], []>, transpose_lhs_hint = false} : vector<128x12xf32>, vector<12x768xf32>, vector<128x768xf32> -> vector<128x768xf32>
      %mul3A_432 = arith.mulf %dot_general3A_431, %convert_element_type3A_311 : vector<128x768xf32>
      %add3A_433 = arith.addf %add3A_428, %mul3A_432 : vector<128x768xf32>
      %convert_element_type3A_434 = arith.truncf %add3A_433 : vector<128x768xf32> to vector<128x768xbf16>
      %get3A_435 = arith.constant 0 : index
      %get3A_436 = arith.constant 0 : index
      %get3A_437 = vector.load %arg5[%get3A_435, %get3A_436] : memref<768x768xbf16, #tpu.memory_space<vmem>>, vector<768x768xbf16>
      %dot_general3A_438 = arith.constant dense<0.000000e+00> : vector<128x768xf32>
      %dot_general3A_439 = tpu.matmul %convert_element_type3A_434, %get3A_437, %dot_general3A_438 {dimension_numbers = #tpu.dot_dimension_numbers<[1], [0], [0], [1], [0, 0, 1, 1], [], []>, transpose_lhs_hint = false} : vector<128x768xbf16>, vector<768x768xbf16>, vector<128x768xf32> -> vector<128x768xf32>
      %get3A_440 = arith.constant 0 : index
      %get3A_441 = arith.constant 0 : index
      %get3A_442 = vector.load %arg6[%get3A_440, %get3A_441] : memref<1x768xf32, #tpu.memory_space<vmem>>, vector<1x768xf32>
      %add3A_443 = vector.broadcast %get3A_442 : vector<1x768xf32> to vector<128x768xf32>
      %add3A_444 = arith.addf %dot_general3A_439, %add3A_443 : vector<128x768xf32>
      %get3A_445 = arith.constant 0 : index
      %get3A_446 = arith.constant 0 : index
      %get3A_447 = vector.load %arg4[%get3A_445, %get3A_446] : memref<128x768xf32, #tpu.memory_space<vmem>>, vector<128x768xf32>
      %add3A_448 = arith.addf %add3A_444, %get3A_447 : vector<128x768xf32>
      %reduce_sum3A = arith.constant dense<0.000000e+00> : vector<128xf32>
      %reduce_sum3A_449 = vector.multi_reduction <add>, %add3A_448, %reduce_sum3A [1] : vector<128x768xf32> to vector<128xf32>
      %broadcast_in_dim3A_450 = vector.shape_cast %reduce_sum3A_449 : vector<128xf32> to vector<128x1xf32>
      %div3A_451 = arith.constant 7.680000e+02 : f32
      %div3A_452 = vector.broadcast %div3A_451 : f32 to vector<128x1xf32>
      %div3A_453 = arith.divf %broadcast_in_dim3A_450, %div3A_452 : vector<128x1xf32>
      %sub3A_454 = vector.broadcast %div3A_453 : vector<128x1xf32> to vector<128x768xf32>
      %sub3A_455 = arith.subf %add3A_448, %sub3A_454 : vector<128x768xf32>
      %sub3A_456 = vector.broadcast %div3A_453 : vector<128x1xf32> to vector<128x768xf32>
      %sub3A_457 = arith.subf %add3A_448, %sub3A_456 : vector<128x768xf32>
      %mul3A_458 = arith.mulf %sub3A_455, %sub3A_457 : vector<128x768xf32>
      %reduce_sum3A_459 = arith.constant dense<0.000000e+00> : vector<128xf32>
      %reduce_sum3A_460 = vector.multi_reduction <add>, %mul3A_458, %reduce_sum3A_459 [1] : vector<128x768xf32> to vector<128xf32>
      %broadcast_in_dim3A_461 = vector.shape_cast %reduce_sum3A_460 : vector<128xf32> to vector<128x1xf32>
      %div3A_462 = arith.constant 7.680000e+02 : f32
      %div3A_463 = vector.broadcast %div3A_462 : f32 to vector<128x1xf32>
      %div3A_464 = arith.divf %broadcast_in_dim3A_461, %div3A_463 : vector<128x1xf32>
      %sub3A_465 = vector.broadcast %div3A_453 : vector<128x1xf32> to vector<128x768xf32>
      %sub3A_466 = arith.subf %add3A_448, %sub3A_465 : vector<128x768xf32>
      %add3A_467 = arith.constant 9.99999974E-6 : f32
      %add3A_468 = vector.broadcast %add3A_467 : f32 to vector<128x1xf32>
      %add3A_469 = arith.addf %div3A_464, %add3A_468 : vector<128x1xf32>
      %rsqrt3A = math.rsqrt %add3A_469 : vector<128x1xf32>
      %mul3A_470 = vector.broadcast %rsqrt3A : vector<128x1xf32> to vector<128x768xf32>
      %mul3A_471 = arith.mulf %sub3A_466, %mul3A_470 : vector<128x768xf32>
      %swap3A = arith.constant 0 : index
      %swap3A_472 = arith.constant 0 : index
      %swap3A_473 = vector.load %arg7[%swap3A, %swap3A_472] : memref<128x768xf32, #tpu.memory_space<vmem>>, vector<128x768xf32>
      tpu.vector_store %arg7[%swap3A, %swap3A_472], %mul3A_471 {strides = array<i32>} : memref<128x768xf32, #tpu.memory_space<vmem>>, vector<128x768xf32>,
    } else {
    }
    return
  }
  func.func @transform_0(%arg0: i32) -> (i32, i32) {
    %c0_i32 = arith.constant 0 : i32
    %c0_i32_0 = arith.constant 0 : i32
    return %arg0, %c0_i32 : i32, i32
  }
  func.func @transform_1(%arg0: i32) -> (i32, i32) {
    %c0_i32 = arith.constant 0 : i32
    %c0_i32_0 = arith.constant 0 : i32
    %c0_i32_1 = arith.constant 0 : i32
    return %c0_i32, %c0_i32_0 : i32, i32
  }
  func.func @transform_2(%arg0: i32) -> (i32, i32) {
    %c0_i32 = arith.constant 0 : i32
    %c0_i32_0 = arith.constant 0 : i32
    %c0_i32_1 = arith.constant 0 : i32
    return %c0_i32, %c0_i32_0 : i32, i32
  }
  func.func @transform_3(%arg0: i32) -> (i32, i32) {
    %c0_i32 = arith.constant 0 : i32
    %c0_i32_0 = arith.constant 0 : i32
    return %arg0, %c0_i32 : i32, i32
  }
  func.func @transform_4(%arg0: i32) -> (i32, i32) {
    %c0_i32 = arith.constant 0 : i32
    %c0_i32_0 = arith.constant 0 : i32
    %c0_i32_1 = arith.constant 0 : i32
    return %c0_i32, %c0_i32_0 : i32, i32
  }
  func.func @transform_5(%arg0: i32) -> (i32, i32) {
    %c0_i32 = arith.constant 0 : i32
    %c0_i32_0 = arith.constant 0 : i32
    %c0_i32_1 = arith.constant 0 : i32
    return %c0_i32, %c0_i32_0 : i32, i32
  }
  func.func @transform_6(%arg0: i32) -> (i32, i32) {
    %c0_i32 = arith.constant 0 : i32
    %c0_i32_0 = arith.constant 0 : i32
    return %arg0, %c0_i32 : i32, i32
  }
}

module attributes {stable_mosaic.version = 14 : i64} {
  func.func @_ffn_qkv_kernel(%arg0: i32, %arg1: memref<512x768xf32, #tpu.memory_space<vmem>>, %arg2: memref<768x2048xbf16, #tpu.memory_space<vmem>>, %arg3: memref<1x2048xf32, #tpu.memory_space<vmem>>, %arg4: memref<2048x768xbf16, #tpu.memory_space<vmem>>, %arg5: memref<1x768xf32, #tpu.memory_space<vmem>>, %arg6: memref<768x768xbf16, #tpu.memory_space<vmem>>, %arg7: memref<768x768xbf16, #tpu.memory_space<vmem>>, %arg8: memref<768x768xbf16, #tpu.memory_space<vmem>>, %arg9: memref<1x768xf32, #tpu.memory_space<vmem>>, %arg10: memref<1x768xf32, #tpu.memory_space<vmem>>, %arg11: memref<1x768xf32, #tpu.memory_space<vmem>>, %arg12: memref<512x768xf32, #tpu.memory_space<vmem>>, %arg13: memref<512x768xbf16, #tpu.memory_space<vmem>>, %arg14: memref<512x768xbf16, #tpu.memory_space<vmem>>, %arg15: memref<512x768xbf16, #tpu.memory_space<vmem>>) attributes {dimension_semantics = [#tpu.dimension_semantics<arbitrary>], iteration_bounds = array<i64: 6>, scalar_prefetch = 0 : i64, scratch_operands = 0 : i64, tpu.core_type = #tpu.core_type<tc>, window_params = [{transform_indices = @transform_0, window_bounds = array<i64: 512, 768>}, {pipeline_mode = #tpu.pipeline_mode<synchronous>, transform_indices = @transform_1, window_bounds = array<i64: 768, 2048>}, {pipeline_mode = #tpu.pipeline_mode<synchronous>, transform_indices = @transform_2, window_bounds = array<i64: 1, 2048>}, {pipeline_mode = #tpu.pipeline_mode<synchronous>, transform_indices = @transform_3, window_bounds = array<i64: 2048, 768>}, {pipeline_mode = #tpu.pipeline_mode<synchronous>, transform_indices = @transform_4, window_bounds = array<i64: 1, 768>}, {pipeline_mode = #tpu.pipeline_mode<synchronous>, transform_indices = @transform_5, window_bounds = array<i64: 768, 768>}, {pipeline_mode = #tpu.pipeline_mode<synchronous>, transform_indices = @transform_6, window_bounds = array<i64: 768, 768>}, {pipeline_mode = #tpu.pipeline_mode<synchronous>, transform_indices = @transform_7, window_bounds = array<i64: 768, 768>}, {pipeline_mode = #tpu.pipeline_mode<synchronous>, transform_indices = @transform_8, window_bounds = array<i64: 1, 768>}, {pipeline_mode = #tpu.pipeline_mode<synchronous>, transform_indices = @transform_9, window_bounds = array<i64: 1, 768>}, {pipeline_mode = #tpu.pipeline_mode<synchronous>, transform_indices = @transform_10, window_bounds = array<i64: 1, 768>}, {transform_indices = @transform_11, window_bounds = array<i64: 512, 768>}, {transform_indices = @transform_12, window_bounds = array<i64: 512, 768>}, {transform_indices = @transform_13, window_bounds = array<i64: 512, 768>}, {transform_indices = @transform_14, window_bounds = array<i64: 512, 768>}]} {
    %get3A = arith.constant 0 : index
    %get3A_0 = arith.constant 0 : index
    %get3A_1 = vector.load %arg1[%get3A, %get3A_0] : memref<512x768xf32, #tpu.memory_space<vmem>>, vector<512x768xf32>
    %convert_element_type3A = arith.truncf %get3A_1 : vector<512x768xf32> to vector<512x768xbf16>
    %get3A_2 = arith.constant 0 : index
    %get3A_3 = arith.constant 0 : index
    %get3A_4 = vector.load %arg2[%get3A_2, %get3A_3] : memref<768x2048xbf16, #tpu.memory_space<vmem>>, vector<768x2048xbf16>
    %dot_general3A = arith.constant dense<0.000000e+00> : vector<512x2048xf32>
    %dot_general3A_5 = tpu.matmul %convert_element_type3A, %get3A_4, %dot_general3A {dimension_numbers = #tpu.dot_dimension_numbers<[1], [0], [0], [1], [0, 0, 1, 1], [], []>, transpose_lhs_hint = false} : vector<512x768xbf16>, vector<768x2048xbf16>, vector<512x2048xf32> -> vector<512x2048xf32>
    %get3A_6 = arith.constant 0 : index
    %get3A_7 = arith.constant 0 : index
    %get3A_8 = vector.load %arg3[%get3A_6, %get3A_7] : memref<1x2048xf32, #tpu.memory_space<vmem>>, vector<1x2048xf32>
    %add3A = vector.broadcast %get3A_8 : vector<1x2048xf32> to vector<512x2048xf32>
    %add3A_9 = arith.addf %dot_general3A_5, %add3A : vector<512x2048xf32>
    %integer_pow3A = arith.mulf %add3A_9, %add3A_9 : vector<512x2048xf32>
    %integer_pow3A_10 = arith.mulf %add3A_9, %integer_pow3A : vector<512x2048xf32>
    %mul3A = arith.constant 4.471500e-02 : f32
    %mul3A_11 = vector.broadcast %mul3A : f32 to vector<512x2048xf32>
    %mul3A_12 = arith.mulf %mul3A_11, %integer_pow3A_10 : vector<512x2048xf32>
    %add3A_13 = arith.addf %add3A_9, %mul3A_12 : vector<512x2048xf32>
    %mul3A_14 = arith.constant 0.797884583 : f32
    %mul3A_15 = vector.broadcast %mul3A_14 : f32 to vector<512x2048xf32>
    %mul3A_16 = arith.mulf %mul3A_15, %add3A_13 : vector<512x2048xf32>
    %tanh3A = math.tanh %mul3A_16 : vector<512x2048xf32>
    %add3A_17 = arith.constant 1.000000e+00 : f32
    %add3A_18 = vector.broadcast %add3A_17 : f32 to vector<512x2048xf32>
    %add3A_19 = arith.addf %add3A_18, %tanh3A : vector<512x2048xf32>
    %mul3A_20 = arith.constant 5.000000e-01 : f32
    %mul3A_21 = vector.broadcast %mul3A_20 : f32 to vector<512x2048xf32>
    %mul3A_22 = arith.mulf %mul3A_21, %add3A_19 : vector<512x2048xf32>
    %mul3A_23 = arith.mulf %add3A_9, %mul3A_22 : vector<512x2048xf32>
    %convert_element_type3A_24 = arith.truncf %mul3A_23 : vector<512x2048xf32> to vector<512x2048xbf16>
    %get3A_25 = arith.constant 0 : index
    %get3A_26 = arith.constant 0 : index
    %get3A_27 = vector.load %arg4[%get3A_25, %get3A_26] : memref<2048x768xbf16, #tpu.memory_space<vmem>>, vector<2048x768xbf16>
    %dot_general3A_28 = arith.constant dense<0.000000e+00> : vector<512x768xf32>
    %dot_general3A_29 = tpu.matmul %convert_element_type3A_24, %get3A_27, %dot_general3A_28 {dimension_numbers = #tpu.dot_dimension_numbers<[1], [0], [0], [1], [0, 0, 1, 1], [], []>, transpose_lhs_hint = false} : vector<512x2048xbf16>, vector<2048x768xbf16>, vector<512x768xf32> -> vector<512x768xf32>
    %get3A_30 = arith.constant 0 : index
    %get3A_31 = arith.constant 0 : index
    %get3A_32 = vector.load %arg5[%get3A_30, %get3A_31] : memref<1x768xf32, #tpu.memory_space<vmem>>, vector<1x768xf32>
    %add3A_33 = vector.broadcast %get3A_32 : vector<1x768xf32> to vector<512x768xf32>
    %add3A_34 = arith.addf %dot_general3A_29, %add3A_33 : vector<512x768xf32>
    %add3A_35 = arith.addf %add3A_34, %get3A_1 : vector<512x768xf32>
    %reduce_sum3A = arith.constant dense<0.000000e+00> : vector<512xf32>
    %reduce_sum3A_36 = vector.multi_reduction <add>, %add3A_35, %reduce_sum3A [1] : vector<512x768xf32> to vector<512xf32>
    %broadcast_in_dim3A = vector.shape_cast %reduce_sum3A_36 : vector<512xf32> to vector<512x1xf32>
    %div3A = arith.constant 7.680000e+02 : f32
    %div3A_37 = vector.broadcast %div3A : f32 to vector<512x1xf32>
    %div3A_38 = arith.divf %broadcast_in_dim3A, %div3A_37 : vector<512x1xf32>
    %sub3A = vector.broadcast %div3A_38 : vector<512x1xf32> to vector<512x768xf32>
    %sub3A_39 = arith.subf %add3A_35, %sub3A : vector<512x768xf32>
    %sub3A_40 = vector.broadcast %div3A_38 : vector<512x1xf32> to vector<512x768xf32>
    %sub3A_41 = arith.subf %add3A_35, %sub3A_40 : vector<512x768xf32>
    %mul3A_42 = arith.mulf %sub3A_39, %sub3A_41 : vector<512x768xf32>
    %reduce_sum3A_43 = arith.constant dense<0.000000e+00> : vector<512xf32>
    %reduce_sum3A_44 = vector.multi_reduction <add>, %mul3A_42, %reduce_sum3A_43 [1] : vector<512x768xf32> to vector<512xf32>
    %broadcast_in_dim3A_45 = vector.shape_cast %reduce_sum3A_44 : vector<512xf32> to vector<512x1xf32>
    %div3A_46 = arith.constant 7.680000e+02 : f32
    %div3A_47 = vector.broadcast %div3A_46 : f32 to vector<512x1xf32>
    %div3A_48 = arith.divf %broadcast_in_dim3A_45, %div3A_47 : vector<512x1xf32>
    %sub3A_49 = vector.broadcast %div3A_38 : vector<512x1xf32> to vector<512x768xf32>
    %sub3A_50 = arith.subf %add3A_35, %sub3A_49 : vector<512x768xf32>
    %add3A_51 = arith.constant 9.99999974E-6 : f32
    %add3A_52 = vector.broadcast %add3A_51 : f32 to vector<512x1xf32>
    %add3A_53 = arith.addf %div3A_48, %add3A_52 : vector<512x1xf32>
    %rsqrt3A = math.rsqrt %add3A_53 : vector<512x1xf32>
    %mul3A_54 = vector.broadcast %rsqrt3A : vector<512x1xf32> to vector<512x768xf32>
    %mul3A_55 = arith.mulf %sub3A_50, %mul3A_54 : vector<512x768xf32>
    %swap3A = arith.constant 0 : index
    %swap3A_56 = arith.constant 0 : index
    %swap3A_57 = vector.load %arg12[%swap3A, %swap3A_56] : memref<512x768xf32, #tpu.memory_space<vmem>>, vector<512x768xf32>
    tpu.vector_store %arg12[%swap3A, %swap3A_56], %mul3A_55 {strides = array<i32>} : memref<512x768xf32, #tpu.memory_space<vmem>>, vector<512x768xf32>,
    %convert_element_type3A_58 = arith.truncf %mul3A_55 : vector<512x768xf32> to vector<512x768xbf16>
    %get3A_59 = arith.constant 0 : index
    %get3A_60 = arith.constant 0 : index
    %get3A_61 = vector.load %arg6[%get3A_59, %get3A_60] : memref<768x768xbf16, #tpu.memory_space<vmem>>, vector<768x768xbf16>
    %dot_general3A_62 = arith.constant dense<0.000000e+00> : vector<512x768xf32>
    %dot_general3A_63 = tpu.matmul %convert_element_type3A_58, %get3A_61, %dot_general3A_62 {dimension_numbers = #tpu.dot_dimension_numbers<[1], [0], [0], [1], [0, 0, 1, 1], [], []>, transpose_lhs_hint = false} : vector<512x768xbf16>, vector<768x768xbf16>, vector<512x768xf32> -> vector<512x768xf32>
    %get3A_64 = arith.constant 0 : index
    %get3A_65 = arith.constant 0 : index
    %get3A_66 = vector.load %arg9[%get3A_64, %get3A_65] : memref<1x768xf32, #tpu.memory_space<vmem>>, vector<1x768xf32>
    %add3A_67 = vector.broadcast %get3A_66 : vector<1x768xf32> to vector<512x768xf32>
    %add3A_68 = arith.addf %dot_general3A_63, %add3A_67 : vector<512x768xf32>
    %mul3A_69 = arith.constant 1.250000e-01 : f32
    %mul3A_70 = vector.broadcast %mul3A_69 : f32 to vector<512x768xf32>
    %mul3A_71 = arith.mulf %add3A_68, %mul3A_70 : vector<512x768xf32>
    %convert_element_type3A_72 = arith.truncf %mul3A_71 : vector<512x768xf32> to vector<512x768xbf16>
    %swap3A_73 = arith.constant 0 : index
    %swap3A_74 = arith.constant 0 : index
    %swap3A_75 = vector.load %arg13[%swap3A_73, %swap3A_74] : memref<512x768xbf16, #tpu.memory_space<vmem>>, vector<512x768xbf16>
    tpu.vector_store %arg13[%swap3A_73, %swap3A_74], %convert_element_type3A_72 {strides = array<i32>} : memref<512x768xbf16, #tpu.memory_space<vmem>>, vector<512x768xbf16>,
    %get3A_76 = arith.constant 0 : index
    %get3A_77 = arith.constant 0 : index
    %get3A_78 = vector.load %arg7[%get3A_76, %get3A_77] : memref<768x768xbf16, #tpu.memory_space<vmem>>, vector<768x768xbf16>
    %dot_general3A_79 = arith.constant dense<0.000000e+00> : vector<512x768xf32>
    %dot_general3A_80 = tpu.matmul %convert_element_type3A_58, %get3A_78, %dot_general3A_79 {dimension_numbers = #tpu.dot_dimension_numbers<[1], [0], [0], [1], [0, 0, 1, 1], [], []>, transpose_lhs_hint = false} : vector<512x768xbf16>, vector<768x768xbf16>, vector<512x768xf32> -> vector<512x768xf32>
    %get3A_81 = arith.constant 0 : index
    %get3A_82 = arith.constant 0 : index
    %get3A_83 = vector.load %arg10[%get3A_81, %get3A_82] : memref<1x768xf32, #tpu.memory_space<vmem>>, vector<1x768xf32>
    %add3A_84 = vector.broadcast %get3A_83 : vector<1x768xf32> to vector<512x768xf32>
    %add3A_85 = arith.addf %dot_general3A_80, %add3A_84 : vector<512x768xf32>
    %convert_element_type3A_86 = arith.truncf %add3A_85 : vector<512x768xf32> to vector<512x768xbf16>
    %swap3A_87 = arith.constant 0 : index
    %swap3A_88 = arith.constant 0 : index
    %swap3A_89 = vector.load %arg14[%swap3A_87, %swap3A_88] : memref<512x768xbf16, #tpu.memory_space<vmem>>, vector<512x768xbf16>
    tpu.vector_store %arg14[%swap3A_87, %swap3A_88], %convert_element_type3A_86 {strides = array<i32>} : memref<512x768xbf16, #tpu.memory_space<vmem>>, vector<512x768xbf16>,
    %get3A_90 = arith.constant 0 : index
    %get3A_91 = arith.constant 0 : index
    %get3A_92 = vector.load %arg8[%get3A_90, %get3A_91] : memref<768x768xbf16, #tpu.memory_space<vmem>>, vector<768x768xbf16>
    %dot_general3A_93 = arith.constant dense<0.000000e+00> : vector<512x768xf32>
    %dot_general3A_94 = tpu.matmul %convert_element_type3A_58, %get3A_92, %dot_general3A_93 {dimension_numbers = #tpu.dot_dimension_numbers<[1], [0], [0], [1], [0, 0, 1, 1], [], []>, transpose_lhs_hint = false} : vector<512x768xbf16>, vector<768x768xbf16>, vector<512x768xf32> -> vector<512x768xf32>
    %get3A_95 = arith.constant 0 : index
    %get3A_96 = arith.constant 0 : index
    %get3A_97 = vector.load %arg11[%get3A_95, %get3A_96] : memref<1x768xf32, #tpu.memory_space<vmem>>, vector<1x768xf32>
    %add3A_98 = vector.broadcast %get3A_97 : vector<1x768xf32> to vector<512x768xf32>
    %add3A_99 = arith.addf %dot_general3A_94, %add3A_98 : vector<512x768xf32>
    %convert_element_type3A_100 = arith.truncf %add3A_99 : vector<512x768xf32> to vector<512x768xbf16>
    %swap3A_101 = arith.constant 0 : index
    %swap3A_102 = arith.constant 0 : index
    %swap3A_103 = vector.load %arg15[%swap3A_101, %swap3A_102] : memref<512x768xbf16, #tpu.memory_space<vmem>>, vector<512x768xbf16>
    tpu.vector_store %arg15[%swap3A_101, %swap3A_102], %convert_element_type3A_100 {strides = array<i32>} : memref<512x768xbf16, #tpu.memory_space<vmem>>, vector<512x768xbf16>,
    return
  }
  func.func @transform_0(%arg0: i32) -> (i32, i32) {
    %c0_i32 = arith.constant 0 : i32
    %c0_i32_0 = arith.constant 0 : i32
    return %arg0, %c0_i32 : i32, i32
  }
  func.func @transform_1(%arg0: i32) -> (i32, i32) {
    %c0_i32 = arith.constant 0 : i32
    %c0_i32_0 = arith.constant 0 : i32
    %c0_i32_1 = arith.constant 0 : i32
    return %c0_i32, %c0_i32_0 : i32, i32
  }
  func.func @transform_2(%arg0: i32) -> (i32, i32) {
    %c0_i32 = arith.constant 0 : i32
    %c0_i32_0 = arith.constant 0 : i32
    %c0_i32_1 = arith.constant 0 : i32
    return %c0_i32, %c0_i32_0 : i32, i32
  }
  func.func @transform_3(%arg0: i32) -> (i32, i32) {
    %c0_i32 = arith.constant 0 : i32
    %c0_i32_0 = arith.constant 0 : i32
    %c0_i32_1 = arith.constant 0 : i32
    return %c0_i32, %c0_i32_0 : i32, i32
  }
  func.func @transform_4(%arg0: i32) -> (i32, i32) {
    %c0_i32 = arith.constant 0 : i32
    %c0_i32_0 = arith.constant 0 : i32
    %c0_i32_1 = arith.constant 0 : i32
    return %c0_i32, %c0_i32_0 : i32, i32
  }
  func.func @transform_5(%arg0: i32) -> (i32, i32) {
    %c0_i32 = arith.constant 0 : i32
    %c0_i32_0 = arith.constant 0 : i32
    %c0_i32_1 = arith.constant 0 : i32
    return %c0_i32, %c0_i32_0 : i32, i32
  }
  func.func @transform_6(%arg0: i32) -> (i32, i32) {
    %c0_i32 = arith.constant 0 : i32
    %c0_i32_0 = arith.constant 0 : i32
    %c0_i32_1 = arith.constant 0 : i32
    return %c0_i32, %c0_i32_0 : i32, i32
  }
  func.func @transform_7(%arg0: i32) -> (i32, i32) {
    %c0_i32 = arith.constant 0 : i32
    %c0_i32_0 = arith.constant 0 : i32
    %c0_i32_1 = arith.constant 0 : i32
    return %c0_i32, %c0_i32_0 : i32, i32
  }
  func.func @transform_8(%arg0: i32) -> (i32, i32) {
    %c0_i32 = arith.constant 0 : i32
    %c0_i32_0 = arith.constant 0 : i32
    %c0_i32_1 = arith.constant 0 : i32
    return %c0_i32, %c0_i32_0 : i32, i32
  }
  func.func @transform_9(%arg0: i32) -> (i32, i32) {
    %c0_i32 = arith.constant 0 : i32
    %c0_i32_0 = arith.constant 0 : i32
    %c0_i32_1 = arith.constant 0 : i32
    return %c0_i32, %c0_i32_0 : i32, i32
  }
  func.func @transform_10(%arg0: i32) -> (i32, i32) {
    %c0_i32 = arith.constant 0 : i32
    %c0_i32_0 = arith.constant 0 : i32
    %c0_i32_1 = arith.constant 0 : i32
    return %c0_i32, %c0_i32_0 : i32, i32
  }
  func.func @transform_11(%arg0: i32) -> (i32, i32) {
    %c0_i32 = arith.constant 0 : i32
    %c0_i32_0 = arith.constant 0 : i32
    return %arg0, %c0_i32 : i32, i32
  }
  func.func @transform_12(%arg0: i32) -> (i32, i32) {
    %c0_i32 = arith.constant 0 : i32
    %c0_i32_0 = arith.constant 0 : i32
    return %arg0, %c0_i32 : i32, i32
  }
  func.func @transform_13(%arg0: i32) -> (i32, i32) {
    %c0_i32 = arith.constant 0 : i32
    %c0_i32_0 = arith.constant 0 : i32
    return %arg0, %c0_i32 : i32, i32
  }
  func.func @transform_14(%arg0: i32) -> (i32, i32) {
    %c0_i32 = arith.constant 0 : i32
    %c0_i32_0 = arith.constant 0 : i32
    return %arg0, %c0_i32 : i32, i32
  }
}

module attributes {stable_mosaic.version = 14 : i64} {
  func.func @_ffn_kernel(%arg0: i32, %arg1: memref<512x768xf32, #tpu.memory_space<vmem>>, %arg2: memref<768x2048xbf16, #tpu.memory_space<vmem>>, %arg3: memref<1x2048xf32, #tpu.memory_space<vmem>>, %arg4: memref<2048x768xbf16, #tpu.memory_space<vmem>>, %arg5: memref<1x768xf32, #tpu.memory_space<vmem>>, %arg6: memref<512x768xf32, #tpu.memory_space<vmem>>) attributes {dimension_semantics = [#tpu.dimension_semantics<arbitrary>], iteration_bounds = array<i64: 6>, scalar_prefetch = 0 : i64, scratch_operands = 0 : i64, tpu.core_type = #tpu.core_type<tc>, window_params = [{transform_indices = @transform_0, window_bounds = array<i64: 512, 768>}, {pipeline_mode = #tpu.pipeline_mode<synchronous>, transform_indices = @transform_1, window_bounds = array<i64: 768, 2048>}, {pipeline_mode = #tpu.pipeline_mode<synchronous>, transform_indices = @transform_2, window_bounds = array<i64: 1, 2048>}, {pipeline_mode = #tpu.pipeline_mode<synchronous>, transform_indices = @transform_3, window_bounds = array<i64: 2048, 768>}, {pipeline_mode = #tpu.pipeline_mode<synchronous>, transform_indices = @transform_4, window_bounds = array<i64: 1, 768>}, {transform_indices = @transform_5, window_bounds = array<i64: 512, 768>}]} {
    %get3A = arith.constant 0 : index
    %get3A_0 = arith.constant 0 : index
    %get3A_1 = vector.load %arg1[%get3A, %get3A_0] : memref<512x768xf32, #tpu.memory_space<vmem>>, vector<512x768xf32>
    %convert_element_type3A = arith.truncf %get3A_1 : vector<512x768xf32> to vector<512x768xbf16>
    %get3A_2 = arith.constant 0 : index
    %get3A_3 = arith.constant 0 : index
    %get3A_4 = vector.load %arg2[%get3A_2, %get3A_3] : memref<768x2048xbf16, #tpu.memory_space<vmem>>, vector<768x2048xbf16>
    %dot_general3A = arith.constant dense<0.000000e+00> : vector<512x2048xf32>
    %dot_general3A_5 = tpu.matmul %convert_element_type3A, %get3A_4, %dot_general3A {dimension_numbers = #tpu.dot_dimension_numbers<[1], [0], [0], [1], [0, 0, 1, 1], [], []>, transpose_lhs_hint = false} : vector<512x768xbf16>, vector<768x2048xbf16>, vector<512x2048xf32> -> vector<512x2048xf32>
    %get3A_6 = arith.constant 0 : index
    %get3A_7 = arith.constant 0 : index
    %get3A_8 = vector.load %arg3[%get3A_6, %get3A_7] : memref<1x2048xf32, #tpu.memory_space<vmem>>, vector<1x2048xf32>
    %add3A = vector.broadcast %get3A_8 : vector<1x2048xf32> to vector<512x2048xf32>
    %add3A_9 = arith.addf %dot_general3A_5, %add3A : vector<512x2048xf32>
    %integer_pow3A = arith.mulf %add3A_9, %add3A_9 : vector<512x2048xf32>
    %integer_pow3A_10 = arith.mulf %add3A_9, %integer_pow3A : vector<512x2048xf32>
    %mul3A = arith.constant 4.471500e-02 : f32
    %mul3A_11 = vector.broadcast %mul3A : f32 to vector<512x2048xf32>
    %mul3A_12 = arith.mulf %mul3A_11, %integer_pow3A_10 : vector<512x2048xf32>
    %add3A_13 = arith.addf %add3A_9, %mul3A_12 : vector<512x2048xf32>
    %mul3A_14 = arith.constant 0.797884583 : f32
    %mul3A_15 = vector.broadcast %mul3A_14 : f32 to vector<512x2048xf32>
    %mul3A_16 = arith.mulf %mul3A_15, %add3A_13 : vector<512x2048xf32>
    %tanh3A = math.tanh %mul3A_16 : vector<512x2048xf32>
    %add3A_17 = arith.constant 1.000000e+00 : f32
    %add3A_18 = vector.broadcast %add3A_17 : f32 to vector<512x2048xf32>
    %add3A_19 = arith.addf %add3A_18, %tanh3A : vector<512x2048xf32>
    %mul3A_20 = arith.constant 5.000000e-01 : f32
    %mul3A_21 = vector.broadcast %mul3A_20 : f32 to vector<512x2048xf32>
    %mul3A_22 = arith.mulf %mul3A_21, %add3A_19 : vector<512x2048xf32>
    %mul3A_23 = arith.mulf %add3A_9, %mul3A_22 : vector<512x2048xf32>
    %convert_element_type3A_24 = arith.truncf %mul3A_23 : vector<512x2048xf32> to vector<512x2048xbf16>
    %get3A_25 = arith.constant 0 : index
    %get3A_26 = arith.constant 0 : index
    %get3A_27 = vector.load %arg4[%get3A_25, %get3A_26] : memref<2048x768xbf16, #tpu.memory_space<vmem>>, vector<2048x768xbf16>
    %dot_general3A_28 = arith.constant dense<0.000000e+00> : vector<512x768xf32>
    %dot_general3A_29 = tpu.matmul %convert_element_type3A_24, %get3A_27, %dot_general3A_28 {dimension_numbers = #tpu.dot_dimension_numbers<[1], [0], [0], [1], [0, 0, 1, 1], [], []>, transpose_lhs_hint = false} : vector<512x2048xbf16>, vector<2048x768xbf16>, vector<512x768xf32> -> vector<512x768xf32>
    %get3A_30 = arith.constant 0 : index
    %get3A_31 = arith.constant 0 : index
    %get3A_32 = vector.load %arg5[%get3A_30, %get3A_31] : memref<1x768xf32, #tpu.memory_space<vmem>>, vector<1x768xf32>
    %add3A_33 = vector.broadcast %get3A_32 : vector<1x768xf32> to vector<512x768xf32>
    %add3A_34 = arith.addf %dot_general3A_29, %add3A_33 : vector<512x768xf32>
    %add3A_35 = arith.addf %add3A_34, %get3A_1 : vector<512x768xf32>
    %reduce_sum3A = arith.constant dense<0.000000e+00> : vector<512xf32>
    %reduce_sum3A_36 = vector.multi_reduction <add>, %add3A_35, %reduce_sum3A [1] : vector<512x768xf32> to vector<512xf32>
    %broadcast_in_dim3A = vector.shape_cast %reduce_sum3A_36 : vector<512xf32> to vector<512x1xf32>
    %div3A = arith.constant 7.680000e+02 : f32
    %div3A_37 = vector.broadcast %div3A : f32 to vector<512x1xf32>
    %div3A_38 = arith.divf %broadcast_in_dim3A, %div3A_37 : vector<512x1xf32>
    %sub3A = vector.broadcast %div3A_38 : vector<512x1xf32> to vector<512x768xf32>
    %sub3A_39 = arith.subf %add3A_35, %sub3A : vector<512x768xf32>
    %sub3A_40 = vector.broadcast %div3A_38 : vector<512x1xf32> to vector<512x768xf32>
    %sub3A_41 = arith.subf %add3A_35, %sub3A_40 : vector<512x768xf32>
    %mul3A_42 = arith.mulf %sub3A_39, %sub3A_41 : vector<512x768xf32>
    %reduce_sum3A_43 = arith.constant dense<0.000000e+00> : vector<512xf32>
    %reduce_sum3A_44 = vector.multi_reduction <add>, %mul3A_42, %reduce_sum3A_43 [1] : vector<512x768xf32> to vector<512xf32>
    %broadcast_in_dim3A_45 = vector.shape_cast %reduce_sum3A_44 : vector<512xf32> to vector<512x1xf32>
    %div3A_46 = arith.constant 7.680000e+02 : f32
    %div3A_47 = vector.broadcast %div3A_46 : f32 to vector<512x1xf32>
    %div3A_48 = arith.divf %broadcast_in_dim3A_45, %div3A_47 : vector<512x1xf32>
    %sub3A_49 = vector.broadcast %div3A_38 : vector<512x1xf32> to vector<512x768xf32>
    %sub3A_50 = arith.subf %add3A_35, %sub3A_49 : vector<512x768xf32>
    %add3A_51 = arith.constant 9.99999974E-6 : f32
    %add3A_52 = vector.broadcast %add3A_51 : f32 to vector<512x1xf32>
    %add3A_53 = arith.addf %div3A_48, %add3A_52 : vector<512x1xf32>
    %rsqrt3A = math.rsqrt %add3A_53 : vector<512x1xf32>
    %mul3A_54 = vector.broadcast %rsqrt3A : vector<512x1xf32> to vector<512x768xf32>
    %mul3A_55 = arith.mulf %sub3A_50, %mul3A_54 : vector<512x768xf32>
    %swap3A = arith.constant 0 : index
    %swap3A_56 = arith.constant 0 : index
    %swap3A_57 = vector.load %arg6[%swap3A, %swap3A_56] : memref<512x768xf32, #tpu.memory_space<vmem>>, vector<512x768xf32>
    tpu.vector_store %arg6[%swap3A, %swap3A_56], %mul3A_55 {strides = array<i32>} : memref<512x768xf32, #tpu.memory_space<vmem>>, vector<512x768xf32>,
    return
  }
  func.func @transform_0(%arg0: i32) -> (i32, i32) {
    %c0_i32 = arith.constant 0 : i32
    %c0_i32_0 = arith.constant 0 : i32
    return %arg0, %c0_i32 : i32, i32
  }
  func.func @transform_1(%arg0: i32) -> (i32, i32) {
    %c0_i32 = arith.constant 0 : i32
    %c0_i32_0 = arith.constant 0 : i32
    %c0_i32_1 = arith.constant 0 : i32
    return %c0_i32, %c0_i32_0 : i32, i32
  }
  func.func @transform_2(%arg0: i32) -> (i32, i32) {
    %c0_i32 = arith.constant 0 : i32
    %c0_i32_0 = arith.constant 0 : i32
    %c0_i32_1 = arith.constant 0 : i32
    return %c0_i32, %c0_i32_0 : i32, i32
  }
  func.func @transform_3(%arg0: i32) -> (i32, i32) {
    %c0_i32 = arith.constant 0 : i32
    %c0_i32_0 = arith.constant 0 : i32
    %c0_i32_1 = arith.constant 0 : i32
    return %c0_i32, %c0_i32_0 : i32, i32
  }
  func.func @transform_4(%arg0: i32) -> (i32, i32) {
    %c0_i32 = arith.constant 0 : i32
    %c0_i32_0 = arith.constant 0 : i32
    %c0_i32_1 = arith.constant 0 : i32
    return %c0_i32, %c0_i32_0 : i32, i32
  }
  func.func @transform_5(%arg0: i32) -> (i32, i32) {
    %c0_i32 = arith.constant 0 : i32
    %c0_i32_0 = arith.constant 0 : i32
    return %arg0, %c0_i32 : i32, i32
  }
}

</mosaic_0001>

<sc_bundles>
// kernel: kernel.8.cloned.1.call-start
scs
__scs_entry_jumppad:
0x0: {  	(pc) =	sbr.rel $0x88, $3  }
0x1: {  	(tag) =	ssettag $0x0;
	lr =	simm.s32 $0x1  }
0x2: {  	[smem:$0x3F89] =	sst lr;
	_ =	strace $0xD0000000  }
0x3: {  	_ = 	snop  }
0x4: {  	_ = 	snop  }
0x5: {  	_ = 	snop  }
0x6: {  	_ = 	snop  }
0x7: {  	_ = 	snop  }
__scs_overlays_trampoline_lowered:
0x8: {  	[smem:$0x3F98] =	sst s0  }
0x9: {  	[smem:$0x3F99] =	sst s1  }
0xa: {  	[smem:$0x3F9A] =	sst s2  }
0xb: {  	[smem:$0x3F9B] =	sst s3  }
0xc: {  	[smem:$0x3F9C] =	sst s4  }
0xd: {  	[smem:$0x3F9D] =	sst s5  }
0xe: {  	[smem:$0x3F9E] =	sst s6  }
0xf: {  	[smem:$0x3F9F] =	sst s7  }
0x10: {  	[smem:$0x3FA0] =	sst s8  }
0x11: {  	[smem:$0x3FA1] =	sst s9;
	s0 =	simm.s32 @!p0 $0x0  }
0x12: {  	s1 =	sld [smem:$0x3F87];
	s0 =	simm.s32 @p0 $0x1  }
0x13: {  	[smem:$0x3FA2] =	sst s0;
	s0 =	simm.s32 @!p1 $0x0  }
0x14: {  	s2 =	sld [smem:$0x3F86];
	s0 =	simm.s32 @p1 $0x1  }
0x15: {  	[smem:$0x3FA3] =	sst s0;
	s0 =	simm.s32 @!p2 $0x0  }
0x16: {  	s3 =	sld [smem:$0x3FDB];
	s0 =	simm.s32 @p2 $0x1  }
0x17: {  	s4 =	simm.s32 $0x1BF5;
	[smem:$0x3FA5] =	sst s0  }
0x18: {  	s0 =	sld [smem:$0x3F88];
	_ =	swait.ge [sflag:s4], $0x0  }
0x19: {  	s7 =	sld [smem:$0x3F89]  }
0x1a: {  	s8 =	sadd.s32 $0xFFFFE003, lr  }
0x1b: {  	s9 =	sadd.s32 $0xFFFFFEF7, lr;
	s5 =	simm.s32 $0xFFFFFFFF;
	p2 =	slt.u32 s8, $0xFFFFF086  }
0x1c: {  	p1 =	slt.u32 s9, $0xF7A;
	s5 =	simm.s32 @!p2 $0x0  }
0x1d: {  	s5 =	simm.s32 @p1 $0x1;
	p0 =	seq.s32 s7, s2  }
0x1e: {  	s7 =	smul.u32 @!p0 $0xF7A, s2;
	p2 =	seq.s32 @!p0 s5, $0x0  }
0x1f: {  	s9 =	smul.u32 $0xF7A, s1;
	s8 =	simm.s32 @!p0 $0x1BF5;
	p2 =	por !p2, p0  }
0x20: {  	[sflag:s8] =	ssyncset.s32 @!p0 $0xFFFFF086;
	s6 =	sadd.s32 @!p0 s3, s7;
	s7 =	simm.s32 @!p0 $0x108  }
0x21: {  	s3 =	sadd.s32 s3, s9;
	s6 =	sadd.s32 @!p0 $0x88, s6;
	s7 =	simm.s32 @p2 $0x1082  }
0x22: {  	[simem:s7], [sflag:s8] =	dma.local @!p0 [hbm:s6], $0xF7A  }
0x23: {  	s9 =	sor.u32 $0xD0000000, s2;
	s6 =	simm.s32 $0x108;
	_ =	swait.ge @!p0 [sflag:s8], $0x0  }
0x24: {  	s3 =	sadd.s32 $0x88, s3;
	s6 =	simm.s32 @!p1 $0x1082;
	[sflag:s4] =	ssyncset.s32 $0xFFFFF086  }
0x25: {  	[simem:s6], [sflag:s4] =	dma.local [hbm:s3], $0xF7A  }
0x26: {  	[smem:$0x3F89] =	sst s1;
	(tag) =	ssettag s2;
	_ =	strace s9  }
0x27: {  	s1 =	sld [smem:$0x3F99]  }
0x28: {  	s2 =	sld [smem:$0x3F9A]  }
0x29: {  	s4 =	sld [smem:$0x3F9C]  }
0x2a: {  	p0 =	seq.s32 s5, $0x0;
	s5 =	sld [smem:$0x3F9D]  }
0x2b: {  	s6 =	sld [smem:$0x3F9E]  }
0x2c: {  	s7 =	sld [smem:$0x3F9F]  }
0x2d: {  	s3 =	simm.s32 $0x108;
	s8 =	sld [smem:$0x3FA0]  }
0x2e: {  	s3 =	simm.s32 @!p0 $0x1082;
	s9 =	sld [smem:$0x3FA1]  }
0x2f: {  	lr =	sadd.s32 s0, s3;
	s0 =	sld [smem:$0x3F98]  }
0x30: {  	s3 =	sld [smem:$0x3F9B]  }
0x31: {  	[smem:$0x3FA4] =	sst s10  }
0x32: {  	s10 =	sld [smem:$0x3FA2];
	_ =	sdelay $0x3  }
0x33: {  	p0 =	seq.s32 s10, $0x1;
	s10 =	sld [smem:$0x3FA4];
	_ =	sdelay $0x3  }
0x34: {  	[smem:$0x3FA4] =	sst s10  }
0x35: {  	s10 =	sld [smem:$0x3FA3];
	_ =	sdelay $0x3  }
0x36: {  	p1 =	seq.s32 s10, $0x1;
	s10 =	sld [smem:$0x3FA4];
	_ =	sdelay $0x3  }
0x37: {  	[smem:$0x3FA4] =	sst s10  }
0x38: {  	s10 =	sld [smem:$0x3FA5]  }
0x39: {  	_ = 	snop;
	(pc) =	sbr.ind lr, $3  }
0x3a: {  	_ = 	snop  }
0x3b: {  	_ = 	snop  }
0x3c: {  	p2 =	seq.s32 s10, $0x1;
	s10 =	sld [smem:$0x3FA4]  }
0x3d: {  	_ =	shalt  }
0x3e: {  	_ =	shalt  }
0x3f: {  	_ =	shalt  }
0x40: {  	_ =	shalt  }
0x41: {  	_ =	shalt  }
0x42: {  	_ =	shalt  }
0x43: {  	_ =	shalt  }
0x44: {  	_ =	shalt  }
0x45: {  	_ =	shalt  }
0x46: {  	_ =	shalt  }
0x47: {  	_ =	shalt  }
0x48: {  	_ =	shalt  }
0x49: {  	_ =	shalt  }
0x4a: {  	_ =	shalt  }
0x4b: {  	_ =	shalt  }
0x4c: {  	_ =	shalt  }
0x4d: {  	_ =	shalt  }
0x4e: {  	_ =	shalt  }
0x4f: {  	_ =	shalt  }
0x50: {  	_ =	shalt  }
0x51: {  	_ =	shalt  }
0x52: {  	_ =	shalt  }
0x53: {  	_ =	shalt  }
0x54: {  	_ =	shalt  }
0x55: {  	_ =	shalt  }
0x56: {  	_ =	shalt  }
0x57: {  	_ =	shalt  }
0x58: {  	_ =	shalt  }
0x59: {  	_ =	shalt  }
0x5a: {  	_ =	shalt  }
0x5b: {  	_ =	shalt  }
0x5c: {  	_ =	shalt  }
0x5d: {  	_ =	shalt  }
0x5e: {  	_ =	shalt  }
0x5f: {  	_ =	shalt  }
0x60: {  	_ =	shalt  }
0x61: {  	_ =	shalt  }
0x62: {  	_ =	shalt  }
0x63: {  	_ =	shalt  }
0x64: {  	_ =	shalt  }
0x65: {  	_ =	shalt  }
0x66: {  	_ =	shalt  }
0x67: {  	_ =	shalt  }
0x68: {  	_ =	shalt  }
0x69: {  	_ =	shalt  }
0x6a: {  	_ =	shalt  }
0x6b: {  	_ =	shalt  }
0x6c: {  	_ =	shalt  }
0x6d: {  	_ =	shalt  }
0x6e: {  	_ =	shalt  }
0x6f: {  	_ =	shalt  }
0x70: {  	_ =	shalt  }
0x71: {  	_ =	shalt  }
0x72: {  	_ =	shalt  }
0x73: {  	_ =	shalt  }
0x74: {  	_ =	shalt  }
0x75: {  	_ =	shalt  }
0x76: {  	_ =	shalt  }
0x77: {  	_ =	shalt  }
0x78: {  	_ =	shalt  }
0x79: {  	_ =	shalt  }
0x7a: {  	_ =	shalt  }
0x7b: {  	_ =	shalt  }
0x7c: {  	_ =	shalt  }
0x7d: {  	_ =	shalt  }
0x7e: {  	_ =	shalt  }
0x7f: {  	_ =	shalt  }
0x80: {  	_ =	shalt  }
0x81: {  	_ =	shalt  }
0x82: {  	_ =	shalt  }
0x83: {  	_ =	shalt  }
0x84: {  	_ =	shalt  }
0x85: {  	_ =	shalt  }
0x86: {  	_ =	shalt  }
0x87: {  	_ =	shalt  }
.Lfunc_end0:
.L_simem_size_0:
called_computation_lowered:
.L_overlay_start_0:
0x88: {  	s2 =	sld [smem:$0x3FD9]  }
0x89: {  	s3 =	sld [smem:$0x3FFE];
	_ =	sdelay $0x1  }
0x8a: {  	s1 =	srdreg.scid  }
0x8b: {  	s0 =	sand.u32 $0x1, s1  }
0x8c: {  	s17 =	sshll.u32 s0, $0xA;
	s2 =	sadd.s32 s3, s2  }
0x8d: {  	s2 =	sadd.s32 s2, s17  }
0x8e: {  	[smem:$0x3FB0] =	sst s2  }
0x8f: {  	_ = 	snop  }
0x90: {  	s2 =	sld [smem:$0x3FD0];
	(tm) =	ssettm $0x1  }
0x91: {  	s18 =	sld [smem:$0x3FFB];
	_ =	sdelay $0x3  }
0x92: {  	_ =	strace s18  }
0x93: {  	s3 =	sld [smem:$0x3FFC];
	_ =	sdelay $0x3  }
0x94: {  	_ =	strace s3  }
0x95: {  	s3 =	sld [smem:$0x3FFD];
	_ =	sdelay $0x3  }
0x96: {  	_ =	strace s3  }
0x97: {  	_ =	strace $0x8FFFFFFF  }
0x98: {  	s19 =	sld [smem:$0x3FDB];
	_ =	sdelay $0x1  }
0x99: {  	s4 =	simm.s32 $_scs_section_size  }
0x9a: {  	s5 =	simm.s32 $_size__tile_overlayer_lowered;
	s6 =	simm.s32 $_tile_overlayer_lowered  }
0x9b: {  	s22 =	simm.s32 $0x1BFF;
	s21 =	sshll.u32 s6, $0x1;
	s3 =	sadd.s32 s4, s19  }
0x9c: {  	s7 =	simm.s32 $0x0;
	s20 =	sshll.u32 s5, $0x1;
	s5 =	sadd.s32 s21, s3  }
0x9d: {  	[timem:s7], [sflag:s22] =	dma.local [hbm:s5], s20  }
0x9e: {  	_ =	swait.ge [sflag:s22], s20  }
0x9f: {  	s4 =	ssub.s32 $0x0, s20;
	[sflag:s22] =	ssyncset.done $0x0  }
0xa0: {  	[sflag:s22] =	ssyncadd.s32 s4;
	_ =	sdelay $0x1  }
0xa1: {  	s23 =	simm.s32 $0x1B8B  }
0xa2: {  	_ =	swait.ge [sflag:s23], $0x1  }
0xa3: {  	[sflag:s23] =	ssyncset.done $0x0  }
0xa4: {  	s25 =	simm.s32 $0x1B8E;
	s24 =	sld [smem:$0x3FFE];
	[sflag:s23] =	ssyncadd.s32 $0xFFFFFFFF  }
0xa5: {  	s26 =	simm.s32 $execute0_lowered;
	[smem:$0x3FD2] =	sst s25  }
0xa6: {  	s5 =	sshll.u32 s26, $0x1;
	_ =	strace $0x80000046;
	[dreg:$0x1] =	wrdreg $0xFFFFFFFF  }
0xa7: {  	s28 =	simm.s32 $_size_execute0_lowered;
	s3 =	sadd.s32 s3, s5;
	[dreg:$0x0] =	wrdreg $0x0  }
0xa8: {  	s5 =	sshll.u32 s28, $0x1;
	[dreg:$0x2] =	wrdreg s3  }
0xa9: {  	[dreg:$0x3] =	wrdreg s5  }
0xaa: {  	[dreg:$0x4] =	wrdreg $0xC0  }
0xab: {  	_ =	task [dreg:s7], $0x5FFFF  }
0xac: {  	[dreg:$0x1] =	wrdreg $0xFFFFFFFF  }
0xad: {  	[dreg:$0x0] =	wrdreg $0x60  }
0xae: {  	[dreg:$0x2] =	wrdreg s2  }
0xaf: {  	[dreg:$0x3] =	wrdreg s24  }
0xb0: {  	[dreg:$0x4] =	wrdreg $0x9  }
0xb1: {  	_ =	task.clear_ibuf [dreg:s7], $0x5FFFF;
	_ =	strace $0x90000046  }
0xb2: {  	s29 =	simm.s32 $0x9;
	_ =	strace $0x80000048  }
0xb3: {  	_ =	swait.ge [sflag:s29], $0x1  }
0xb4: {  	[sflag:s29] =	ssyncadd.s32 $0xFFFFFFFF  }
0xb5: {  	_ =	strace $0x90000048  }
0xb6: {  	_ =	sfence  }
0xb7: {  	s30 =	sld [smem:$0x0];
	_ =	sdelay $0x2  }
0xb8: {  	s31 =	sshll.u32 s1, $0xD;
	s1 =	sshrl.u32 s1, $0x2  }
0xb9: {  	s3 =	sand.u32 $0x4000, s31;
	s1 =	sadd.s32 s1, s30  }
0xba: {  	s0 =	sor.u32 s3, s0;
	s1 =	sshll.u32 s1, $0x11  }
0xbb: {  	s0 =	sor.u32 s1, s0  }
0xbc: {  	s0 =	sadd.s32 $0x8F2B, s0  }
0xbd: {  	[sflag:s0] =	ssyncadd.remote.s32 $0x1  }
0xbe: {  	_ =	sfence.sel $0xFFFF  }
0xbf: {  	[dreg:$0x0] =	wrdreg $0xFFFFFFFF;
	(pc) =	sbr.abs _section_cstart, $3  }
0xc0: {  	[dreg:$0x1] =	wrdreg $0xFFFFFFFF  }
0xc1: {  	_ =	task.clear_ibuf [dreg:s7], $0x2FFFF;
	_ =	strace $0x9FFFFFFF  }
0xc2: {  	(tm) =	ssettm $0x7FFFFFFF  }
0xc3: {  	_ =	shalt  }
tec
execute0_lowered:
.L_overlay_start_1:
0x0: {  	(tag) =	ssettag $0x1  }
0x1: {  	s1 =	rddreg [dreg:$0x0]  }
0x2: {  	s0 =	rddreg [dreg:$0x1];
	s2 =	srdreg.scid  }
0x3: {  	s3 =	simm.s32 $0x0;
	s4 =	stileid.u32;
	s31 =	simm.s32 $0x80  }
0x4: {  	s2 =	sand.u32 $0x1, s2;
	[smem:$0x7FF] =	sst s3;
	s4 =	sshll.u32 s4, $0x6  }
0x5: {  	s20 =	sadd.s32 $0x8600, s0;
	s0 =	sadd.s32 $0x8A00, s0;
	s5 =	sshll.u32 s2, $0x5  }
0x6: {  	_ =	strace $0x80000047;
	s2 =	ssub.s32 $0x2, s2;
	s4 =	sor.u32 s5, s4  }
0x7: {  	s30 =	sshrl.u32 s2, $0x1;
	s5 =	sadd.s32 $0x200, s1;
	s6 =	smul.u32 $0x300, s4  }
0x8: {  	s7 =	sadd.s32 s20, s4;
	s8 =	sor.u32 $0x8, s4;
	s23 =	sor.u32 $0x10, s4  }
0x9: {  	s4 =	sor.u32 $0x18, s4;
	[dreg:$0x3] =	wrdreg s7;
	s22 =	sadd.s32 s20, s8  }
0xa: {  	s21 =	smul.u32 $0x300, s8;
	s26 =	sadd.s32 s20, s23;
	[dreg:$0x5] =	wrdreg s22  }
0xb: {  	s29 =	smul.u32 $0x300, s4;
	s4 =	sadd.s32 s20, s4;
	[dreg:$0x7] =	wrdreg s26  }
0xc: {  	s25 =	smul.u32 $0x300, s23;
	s6 =	sadd.s32 s0, s6;
	[dreg:$0x9] =	wrdreg s4  }
0xd: {  	s2 =	ssub.s32 s2, s30;
	[dreg:$0x4] =	wrdreg s6;
	s24 =	sadd.s32 s0, s21  }
0xe: {  	v2 =	vlaneseq.u32;
	s7 =	simm.s32 $0x2;
	s28 =	sadd.s32 s0, s25;
	[dreg:$0x6] =	wrdreg s24  }
0xf: {  	vm0 =	vmmov $0xffff;
	v1 =	vshrl.u32 v2, $0x3;
	s4 =	sadd.s32 $0x100, s1;
	s0 =	sadd.s32 s0, s29;
	[dreg:$0x8] =	wrdreg s28  }
0x10: {  	v0 =	vand.u32 $0x7, v2;
	v2 =	vor.u32 $0x8, v2;
	v1 =	vmul.u32 $0x8, v1;
	s6 =	smax.u32 s2, $0x1;
	s2 =	simm.s32 $0x1;
	[dreg:$0xa] =	wrdreg s0  }
.LBB2_1:
0x11: {  	s9 =	rddreg [dreg:$0x3]  }
0x12: {  	[tilespmem:s3], [sflag:$0x2] =	stream.linear.gather [hbm4b:s9+s3], $0x40, $0x38;
	[tilespmem:$0xC080] =	vst v63  }
0x13: {  	_ =	swait.ge [sflag:s7], $0x40  }
0x14: {  	[sflag:s7] =	ssyncset.done $0x0  }
0x15: {  	[sflag:s7] =	ssyncadd.s32 $0xFFFFFFC0  }
0x16: {  	v3 =	vld [tilespmem:$0x0];
	_ =	sdelay $0x4  }
0x17: {  	v4 =	vshrl.u32 v3, $0x3  }
0x18: {  	v4 =	vmul.u32 $0x30, v4  }
0x19: {  	v3 =	vand.u32 $0x7, v3  }
0x1a: {  	v3 =	vor.u32 v3, v4  }
0x1b: {  	v4 =	vperm.xlane v3, v0;
	_ =	sdelay $0x1  }
0x1c: {  	v4 =	vadd.s32 v1, v4;
	_ =	sdelay $0x3  }
0x1d: {  	v3 =	vperm.xlane v3, v2  }
0x1e: {  	[tilespmem:s31], [sflag:$0x1] =	stream.indirect_vreg.gather [hbm4b:s1+s3], $0x80, v4, vm0, $0xb8;
	[tilespmem:$0xC080] =	vst v63  }
0x1f: {  	s0 =	simm.s32 $0x880;
	v3 =	vadd.s32 v1, v3  }
0x20: {  	[tilespmem:s0], [sflag:$0x1] =	stream.indirect_vreg.gather [hbm4b:s4+s3], $0x80, v4, vm0, $0xb8;
	[tilespmem:$0xC080] =	vst v63  }
0x21: {  	s28 =	simm.s32 $0x1080  }
0x22: {  	[tilespmem:s28], [sflag:$0x1] =	stream.indirect_vreg.gather [hbm4b:s5+s3], $0x80, v4, vm0, $0xb8;
	[tilespmem:$0xC080] =	vst v63  }
0x23: {  	s29 =	simm.s32 $0x1880  }
0x24: {  	[tilespmem:s29], [sflag:$0x1] =	stream.indirect_vreg.gather [hbm4b:s1+s3], $0x80, v3, vm0, $0xb8;
	[tilespmem:$0xC080] =	vst v63  }
0x25: {  	s30 =	simm.s32 $0x2080  }
0x26: {  	[tilespmem:s30], [sflag:$0x1] =	stream.indirect_vreg.gather [hbm4b:s4+s3], $0x80, v3, vm0, $0xb8;
	[tilespmem:$0xC080] =	vst v63  }
0x27: {  	s8 =	simm.s32 $0x2880  }
0x28: {  	[tilespmem:s8], [sflag:$0x1] =	stream.indirect_vreg.gather [hbm4b:s5+s3], $0x80, v3, vm0, $0xb8;
	[tilespmem:$0xC080] =	vst v63  }
0x29: {  	v3 =	vld [tilespmem:$0x10];
	_ =	sdelay $0x4  }
0x2a: {  	v49 =	vshrl.u32 v3, $0x3  }
0x2b: {  	v4 =	vmul.u32 $0x30, v49  }
0x2c: {  	v3 =	vand.u32 $0x7, v3  }
0x2d: {  	v3 =	vor.u32 v3, v4  }
0x2e: {  	v4 =	vperm.xlane v3, v0;
	_ =	sdelay $0x1  }
0x2f: {  	v4 =	vadd.s32 v1, v4;
	_ =	sdelay $0x3  }
0x30: {  	s9 =	simm.s32 $0x3080;
	v3 =	vperm.xlane v3, v2  }
0x31: {  	[tilespmem:s9], [sflag:$0x1] =	stream.indirect_vreg.gather [hbm4b:s1+s3], $0x80, v4, vm0, $0xb8;
	[tilespmem:$0xC080] =	vst v63  }
0x32: {  	s10 =	simm.s32 $0x3880;
	v3 =	vadd.s32 v1, v3  }
0x33: {  	[tilespmem:s10], [sflag:$0x1] =	stream.indirect_vreg.gather [hbm4b:s4+s3], $0x80, v4, vm0, $0xb8;
	[tilespmem:$0xC080] =	vst v63  }
0x34: {  	s11 =	simm.s32 $0x4080  }
0x35: {  	[tilespmem:s11], [sflag:$0x1] =	stream.indirect_vreg.gather [hbm4b:s5+s3], $0x80, v4, vm0, $0xb8;
	[tilespmem:$0xC080] =	vst v63  }
0x36: {  	s12 =	simm.s32 $0x4880  }
0x37: {  	[tilespmem:s12], [sflag:$0x1] =	stream.indirect_vreg.gather [hbm4b:s1+s3], $0x80, v3, vm0, $0xb8;
	[tilespmem:$0xC080] =	vst v63  }
0x38: {  	s13 =	simm.s32 $0x5080  }
0x39: {  	[tilespmem:s13], [sflag:$0x1] =	stream.indirect_vreg.gather [hbm4b:s4+s3], $0x80, v3, vm0, $0xb8;
	[tilespmem:$0xC080] =	vst v63  }
0x3a: {  	s14 =	simm.s32 $0x5880  }
0x3b: {  	[tilespmem:s14], [sflag:$0x1] =	stream.indirect_vreg.gather [hbm4b:s5+s3], $0x80, v3, vm0, $0xb8;
	[tilespmem:$0xC080] =	vst v63  }
0x3c: {  	v3 =	vld [tilespmem:$0x20];
	_ =	sdelay $0x4  }
0x3d: {  	v50 =	vshrl.u32 v3, $0x3  }
0x3e: {  	v4 =	vmul.u32 $0x30, v50  }
0x3f: {  	v3 =	vand.u32 $0x7, v3  }
0x40: {  	v3 =	vor.u32 v3, v4  }
0x41: {  	v4 =	vperm.xlane v3, v0;
	_ =	sdelay $0x1  }
0x42: {  	v4 =	vadd.s32 v1, v4;
	_ =	sdelay $0x3  }
0x43: {  	s15 =	simm.s32 $0x6080;
	v3 =	vperm.xlane v3, v2  }
0x44: {  	[tilespmem:s15], [sflag:$0x1] =	stream.indirect_vreg.gather [hbm4b:s1+s3], $0x80, v4, vm0, $0xb8;
	[tilespmem:$0xC080] =	vst v63  }
0x45: {  	s16 =	simm.s32 $0x6880;
	v3 =	vadd.s32 v1, v3  }
0x46: {  	[tilespmem:s16], [sflag:$0x1] =	stream.indirect_vreg.gather [hbm4b:s4+s3], $0x80, v4, vm0, $0xb8;
	[tilespmem:$0xC080] =	vst v63  }
0x47: {  	s17 =	simm.s32 $0x7080  }
0x48: {  	[tilespmem:s17], [sflag:$0x1] =	stream.indirect_vreg.gather [hbm4b:s5+s3], $0x80, v4, vm0, $0xb8;
	[tilespmem:$0xC080] =	vst v63  }
0x49: {  	s18 =	simm.s32 $0x7880  }
0x4a: {  	[tilespmem:s18], [sflag:$0x1] =	stream.indirect_vreg.gather [hbm4b:s1+s3], $0x80, v3, vm0, $0xb8;
	[tilespmem:$0xC080] =	vst v63  }
0x4b: {  	s19 =	simm.s32 $0x8080  }
0x4c: {  	[tilespmem:s19], [sflag:$0x1] =	stream.indirect_vreg.gather [hbm4b:s4+s3], $0x80, v3, vm0, $0xb8;
	[tilespmem:$0xC080] =	vst v63  }
0x4d: {  	s20 =	simm.s32 $0x8880  }
0x4e: {  	[tilespmem:s20], [sflag:$0x1] =	stream.indirect_vreg.gather [hbm4b:s5+s3], $0x80, v3, vm0, $0xb8;
	[tilespmem:$0xC080] =	vst v63  }
0x4f: {  	v3 =	vld [tilespmem:$0x30];
	_ =	sdelay $0x4  }
0x50: {  	v51 =	vshrl.u32 v3, $0x3  }
0x51: {  	v4 =	vmul.u32 $0x30, v51  }
0x52: {  	v3 =	vand.u32 $0x7, v3  }
0x53: {  	v3 =	vor.u32 v3, v4  }
0x54: {  	v4 =	vperm.xlane v3, v0;
	_ =	sdelay $0x1  }
0x55: {  	v4 =	vadd.s32 v1, v4;
	_ =	sdelay $0x3  }
0x56: {  	s21 =	simm.s32 $0x9080;
	v3 =	vperm.xlane v3, v2  }
0x57: {  	[tilespmem:s21], [sflag:$0x1] =	stream.indirect_vreg.gather [hbm4b:s1+s3], $0x80, v4, vm0, $0xb8;
	[tilespmem:$0xC080] =	vst v63  }
0x58: {  	s22 =	simm.s32 $0x9880;
	v3 =	vadd.s32 v1, v3  }
0x59: {  	[tilespmem:s22], [sflag:$0x1] =	stream.indirect_vreg.gather [hbm4b:s4+s3], $0x80, v4, vm0, $0xb8;
	[tilespmem:$0xC080] =	vst v63  }
0x5a: {  	s23 =	simm.s32 $0xA080  }
0x5b: {  	[tilespmem:s23], [sflag:$0x1] =	stream.indirect_vreg.gather [hbm4b:s5+s3], $0x80, v4, vm0, $0xb8;
	[tilespmem:$0xC080] =	vst v63  }
0x5c: {  	s24 =	simm.s32 $0xA880  }
0x5d: {  	[tilespmem:s24], [sflag:$0x1] =	stream.indirect_vreg.gather [hbm4b:s1+s3], $0x80, v3, vm0, $0xb8;
	[tilespmem:$0xC080] =	vst v63  }
0x5e: {  	s25 =	simm.s32 $0xB080  }
0x5f: {  	[tilespmem:s25], [sflag:$0x1] =	stream.indirect_vreg.gather [hbm4b:s4+s3], $0x80, v3, vm0, $0xb8;
	[tilespmem:$0xC080] =	vst v63  }
0x60: {  	s26 =	simm.s32 $0xB880  }
0x61: {  	[tilespmem:s26], [sflag:$0x1] =	stream.indirect_vreg.gather [hbm4b:s5+s3], $0x80, v3, vm0, $0xb8;
	[tilespmem:$0xC080] =	vst v63  }
0x62: {  	_ =	swait.ge [sflag:s2], $0xC000  }
0x63: {  	[sflag:s2] =	ssyncset.done $0x0  }
0x64: {  	s28 =	rddreg [dreg:$0x4];
	[sflag:s2] =	ssyncadd.s32 $0xFFFF4000  }
0x65: {  	[hbm4b:s28+s3] =	stream.linear.scatter [tilespmem:s31], [sflag:$0x2], $0xC000, $0x38;
	[tilespmem:$0xC080] =	vst v63  }
0x66: {  	_ =	swait.ge [sflag:s7], $0xC000  }
0x67: {  	[sflag:s7] =	ssyncset.done $0x0  }
0x68: {  	s29 =	rddreg [dreg:$0x5];
	[sflag:s7] =	ssyncadd.s32 $0xFFFF4000  }
0x69: {  	[tilespmem:s3], [sflag:$0x2] =	stream.linear.gather [hbm4b:s29+s3], $0x40, $0x38;
	[tilespmem:$0xC080] =	vst v63  }
0x6a: {  	_ =	swait.ge [sflag:s7], $0x40  }
0x6b: {  	[sflag:s7] =	ssyncset.done $0x0  }
0x6c: {  	[sflag:s7] =	ssyncadd.s32 $0xFFFFFFC0  }
0x6d: {  	v3 =	vld [tilespmem:$0x0];
	_ =	sdelay $0x4  }
0x6e: {  	v52 =	vshrl.u32 v3, $0x3  }
0x6f: {  	v4 =	vmul.u32 $0x30, v52  }
0x70: {  	v3 =	vand.u32 $0x7, v3  }
0x71: {  	v3 =	vor.u32 v3, v4  }
0x72: {  	v4 =	vperm.xlane v3, v0;
	_ =	sdelay $0x1  }
0x73: {  	v4 =	vadd.s32 v1, v4;
	_ =	sdelay $0x3  }
0x74: {  	v3 =	vperm.xlane v3, v2  }
0x75: {  	[tilespmem:s31], [sflag:$0x1] =	stream.indirect_vreg.gather [hbm4b:s1+s3], $0x80, v4, vm0, $0xb8;
	[tilespmem:$0xC080] =	vst v63  }
0x76: {  	s0 =	simm.s32 $0x880;
	v3 =	vadd.s32 v1, v3  }
0x77: {  	[tilespmem:s0], [sflag:$0x1] =	stream.indirect_vreg.gather [hbm4b:s4+s3], $0x80, v4, vm0, $0xb8;
	[tilespmem:$0xC080] =	vst v63  }
0x78: {  	s8 =	simm.s32 $0x1080  }
0x79: {  	[tilespmem:s8], [sflag:$0x1] =	stream.indirect_vreg.gather [hbm4b:s5+s3], $0x80, v4, vm0, $0xb8;
	[tilespmem:$0xC080] =	vst v63  }
0x7a: {  	s10 =	simm.s32 $0x1880  }
0x7b: {  	[tilespmem:s10], [sflag:$0x1] =	stream.indirect_vreg.gather [hbm4b:s1+s3], $0x80, v3, vm0, $0xb8;
	[tilespmem:$0xC080] =	vst v63  }
0x7c: {  	s11 =	simm.s32 $0x2080  }
0x7d: {  	[tilespmem:s11], [sflag:$0x1] =	stream.indirect_vreg.gather [hbm4b:s4+s3], $0x80, v3, vm0, $0xb8;
	[tilespmem:$0xC080] =	vst v63  }
0x7e: {  	s12 =	simm.s32 $0x2880  }
0x7f: {  	[tilespmem:s12], [sflag:$0x1] =	stream.indirect_vreg.gather [hbm4b:s5+s3], $0x80, v3, vm0, $0xb8;
	[tilespmem:$0xC080] =	vst v63  }
0x80: {  	v3 =	vld [tilespmem:$0x10];
	_ =	sdelay $0x4  }
0x81: {  	v53 =	vshrl.u32 v3, $0x3  }
0x82: {  	v4 =	vmul.u32 $0x30, v53  }
0x83: {  	v3 =	vand.u32 $0x7, v3  }
0x84: {  	v3 =	vor.u32 v3, v4  }
0x85: {  	v4 =	vperm.xlane v3, v0;
	_ =	sdelay $0x1  }
0x86: {  	v4 =	vadd.s32 v1, v4;
	_ =	sdelay $0x3  }
0x87: {  	s13 =	simm.s32 $0x3080;
	v3 =	vperm.xlane v3, v2  }
0x88: {  	[tilespmem:s13], [sflag:$0x1] =	stream.indirect_vreg.gather [hbm4b:s1+s3], $0x80, v4, vm0, $0xb8;
	[tilespmem:$0xC080] =	vst v63  }
0x89: {  	s14 =	simm.s32 $0x3880;
	v3 =	vadd.s32 v1, v3  }
0x8a: {  	[tilespmem:s14], [sflag:$0x1] =	stream.indirect_vreg.gather [hbm4b:s4+s3], $0x80, v4, vm0, $0xb8;
	[tilespmem:$0xC080] =	vst v63  }
0x8b: {  	s15 =	simm.s32 $0x4080  }
0x8c: {  	[tilespmem:s15], [sflag:$0x1] =	stream.indirect_vreg.gather [hbm4b:s5+s3], $0x80, v4, vm0, $0xb8;
	[tilespmem:$0xC080] =	vst v63  }
0x8d: {  	s16 =	simm.s32 $0x4880  }
0x8e: {  	[tilespmem:s16], [sflag:$0x1] =	stream.indirect_vreg.gather [hbm4b:s1+s3], $0x80, v3, vm0, $0xb8;
	[tilespmem:$0xC080] =	vst v63  }
0x8f: {  	s17 =	simm.s32 $0x5080  }
0x90: {  	[tilespmem:s17], [sflag:$0x1] =	stream.indirect_vreg.gather [hbm4b:s4+s3], $0x80, v3, vm0, $0xb8;
	[tilespmem:$0xC080] =	vst v63  }
0x91: {  	s18 =	simm.s32 $0x5880  }
0x92: {  	[tilespmem:s18], [sflag:$0x1] =	stream.indirect_vreg.gather [hbm4b:s5+s3], $0x80, v3, vm0, $0xb8;
	[tilespmem:$0xC080] =	vst v63  }
0x93: {  	v3 =	vld [tilespmem:$0x20];
	_ =	sdelay $0x4  }
0x94: {  	v54 =	vshrl.u32 v3, $0x3  }
0x95: {  	v4 =	vmul.u32 $0x30, v54  }
0x96: {  	v3 =	vand.u32 $0x7, v3  }
0x97: {  	v3 =	vor.u32 v3, v4  }
0x98: {  	v4 =	vperm.xlane v3, v0;
	_ =	sdelay $0x1  }
0x99: {  	v4 =	vadd.s32 v1, v4;
	_ =	sdelay $0x3  }
0x9a: {  	s19 =	simm.s32 $0x6080;
	v3 =	vperm.xlane v3, v2  }
0x9b: {  	[tilespmem:s19], [sflag:$0x1] =	stream.indirect_vreg.gather [hbm4b:s1+s3], $0x80, v4, vm0, $0xb8;
	[tilespmem:$0xC080] =	vst v63  }
0x9c: {  	s20 =	simm.s32 $0x6880;
	v3 =	vadd.s32 v1, v3  }
0x9d: {  	[tilespmem:s20], [sflag:$0x1] =	stream.indirect_vreg.gather [hbm4b:s4+s3], $0x80, v4, vm0, $0xb8;
	[tilespmem:$0xC080] =	vst v63  }
0x9e: {  	s21 =	simm.s32 $0x7080  }
0x9f: {  	[tilespmem:s21], [sflag:$0x1] =	stream.indirect_vreg.gather [hbm4b:s5+s3], $0x80, v4, vm0, $0xb8;
	[tilespmem:$0xC080] =	vst v63  }
0xa0: {  	s22 =	simm.s32 $0x7880  }
0xa1: {  	[tilespmem:s22], [sflag:$0x1] =	stream.indirect_vreg.gather [hbm4b:s1+s3], $0x80, v3, vm0, $0xb8;
	[tilespmem:$0xC080] =	vst v63  }
0xa2: {  	s23 =	simm.s32 $0x8080  }
0xa3: {  	[tilespmem:s23], [sflag:$0x1] =	stream.indirect_vreg.gather [hbm4b:s4+s3], $0x80, v3, vm0, $0xb8;
	[tilespmem:$0xC080] =	vst v63  }
0xa4: {  	s24 =	simm.s32 $0x8880  }
0xa5: {  	[tilespmem:s24], [sflag:$0x1] =	stream.indirect_vreg.gather [hbm4b:s5+s3], $0x80, v3, vm0, $0xb8;
	[tilespmem:$0xC080] =	vst v63  }
0xa6: {  	v3 =	vld [tilespmem:$0x30];
	_ =	sdelay $0x4  }
0xa7: {  	v55 =	vshrl.u32 v3, $0x3  }
0xa8: {  	v4 =	vmul.u32 $0x30, v55  }
0xa9: {  	v3 =	vand.u32 $0x7, v3  }
0xaa: {  	v3 =	vor.u32 v3, v4  }
0xab: {  	v4 =	vperm.xlane v3, v0;
	_ =	sdelay $0x1  }
0xac: {  	v4 =	vadd.s32 v1, v4;
	_ =	sdelay $0x3  }
0xad: {  	s25 =	simm.s32 $0x9080;
	v3 =	vperm.xlane v3, v2  }
0xae: {  	[tilespmem:s25], [sflag:$0x1] =	stream.indirect_vreg.gather [hbm4b:s1+s3], $0x80, v4, vm0, $0xb8;
	[tilespmem:$0xC080] =	vst v63  }
0xaf: {  	s26 =	simm.s32 $0x9880;
	v3 =	vadd.s32 v1, v3  }
0xb0: {  	[tilespmem:s26], [sflag:$0x1] =	stream.indirect_vreg.gather [hbm4b:s4+s3], $0x80, v4, vm0, $0xb8;
	[tilespmem:$0xC080] =	vst v63  }
0xb1: {  	s28 =	simm.s32 $0xA080  }
0xb2: {  	[tilespmem:s28], [sflag:$0x1] =	stream.indirect_vreg.gather [hbm4b:s5+s3], $0x80, v4, vm0, $0xb8;
	[tilespmem:$0xC080] =	vst v63  }
0xb3: {  	s29 =	simm.s32 $0xA880  }
0xb4: {  	[tilespmem:s29], [sflag:$0x1] =	stream.indirect_vreg.gather [hbm4b:s1+s3], $0x80, v3, vm0, $0xb8;
	[tilespmem:$0xC080] =	vst v63  }
0xb5: {  	s9 =	simm.s32 $0xB080  }
0xb6: {  	[tilespmem:s9], [sflag:$0x1] =	stream.indirect_vreg.gather [hbm4b:s4+s3], $0x80, v3, vm0, $0xb8;
	[tilespmem:$0xC080] =	vst v63  }
0xb7: {  	s30 =	simm.s32 $0xB880  }
0xb8: {  	[tilespmem:s30], [sflag:$0x1] =	stream.indirect_vreg.gather [hbm4b:s5+s3], $0x80, v3, vm0, $0xb8;
	[tilespmem:$0xC080] =	vst v63  }
0xb9: {  	_ =	swait.ge [sflag:s2], $0xC000  }
0xba: {  	[sflag:s2] =	ssyncset.done $0x0  }
0xbb: {  	s30 =	rddreg [dreg:$0x6];
	[sflag:s2] =	ssyncadd.s32 $0xFFFF4000  }
0xbc: {  	[hbm4b:s30+s3] =	stream.linear.scatter [tilespmem:s31], [sflag:$0x2], $0xC000, $0x38;
	[tilespmem:$0xC080] =	vst v63  }
0xbd: {  	_ =	swait.ge [sflag:s7], $0xC000  }
0xbe: {  	[sflag:s7] =	ssyncset.done $0x0  }
0xbf: {  	s30 =	rddreg [dreg:$0x7];
	[sflag:s7] =	ssyncadd.s32 $0xFFFF4000  }
0xc0: {  	[tilespmem:s3], [sflag:$0x2] =	stream.linear.gather [hbm4b:s30+s3], $0x40, $0x38;
	[tilespmem:$0xC080] =	vst v63  }
0xc1: {  	_ =	swait.ge [sflag:s7], $0x40  }
0xc2: {  	[sflag:s7] =	ssyncset.done $0x0  }
0xc3: {  	[sflag:s7] =	ssyncadd.s32 $0xFFFFFFC0  }
0xc4: {  	v3 =	vld [tilespmem:$0x0];
	_ =	sdelay $0x4  }
0xc5: {  	v56 =	vshrl.u32 v3, $0x3  }
0xc6: {  	v4 =	vmul.u32 $0x30, v56  }
0xc7: {  	v3 =	vand.u32 $0x7, v3  }
0xc8: {  	v3 =	vor.u32 v3, v4  }
0xc9: {  	v4 =	vperm.xlane v3, v0;
	_ =	sdelay $0x1  }
0xca: {  	v4 =	vadd.s32 v1, v4;
	_ =	sdelay $0x3  }
0xcb: {  	v3 =	vperm.xlane v3, v2  }
0xcc: {  	[tilespmem:s31], [sflag:$0x1] =	stream.indirect_vreg.gather [hbm4b:s1+s3], $0x80, v4, vm0, $0xb8;
	[tilespmem:$0xC080] =	vst v63  }
0xcd: {  	v3 =	vadd.s32 v1, v3  }
0xce: {  	[tilespmem:s0], [sflag:$0x1] =	stream.indirect_vreg.gather [hbm4b:s4+s3], $0x80, v4, vm0, $0xb8;
	[tilespmem:$0xC080] =	vst v63  }
0xcf: {  	_ = 	snop  }
0xd0: {  	[tilespmem:s8], [sflag:$0x1] =	stream.indirect_vreg.gather [hbm4b:s5+s3], $0x80, v4, vm0, $0xb8;
	[tilespmem:$0xC080] =	vst v63  }
0xd1: {  	_ = 	snop  }
0xd2: {  	[tilespmem:s10], [sflag:$0x1] =	stream.indirect_vreg.gather [hbm4b:s1+s3], $0x80, v3, vm0, $0xb8;
	[tilespmem:$0xC080] =	vst v63  }
0xd3: {  	_ = 	snop  }
0xd4: {  	[tilespmem:s11], [sflag:$0x1] =	stream.indirect_vreg.gather [hbm4b:s4+s3], $0x80, v3, vm0, $0xb8;
	[tilespmem:$0xC080] =	vst v63  }
0xd5: {  	_ = 	snop  }
0xd6: {  	[tilespmem:s12], [sflag:$0x1] =	stream.indirect_vreg.gather [hbm4b:s5+s3], $0x80, v3, vm0, $0xb8;
	[tilespmem:$0xC080] =	vst v63  }
0xd7: {  	v3 =	vld [tilespmem:$0x10];
	_ =	sdelay $0x4  }
0xd8: {  	v57 =	vshrl.u32 v3, $0x3  }
0xd9: {  	v4 =	vmul.u32 $0x30, v57  }
0xda: {  	v3 =	vand.u32 $0x7, v3  }
0xdb: {  	v3 =	vor.u32 v3, v4  }
0xdc: {  	v4 =	vperm.xlane v3, v0;
	_ =	sdelay $0x1  }
0xdd: {  	v4 =	vadd.s32 v1, v4;
	_ =	sdelay $0x3  }
0xde: {  	v3 =	vperm.xlane v3, v2  }
0xdf: {  	[tilespmem:s13], [sflag:$0x1] =	stream.indirect_vreg.gather [hbm4b:s1+s3], $0x80, v4, vm0, $0xb8;
	[tilespmem:$0xC080] =	vst v63  }
0xe0: {  	v3 =	vadd.s32 v1, v3  }
0xe1: {  	[tilespmem:s14], [sflag:$0x1] =	stream.indirect_vreg.gather [hbm4b:s4+s3], $0x80, v4, vm0, $0xb8;
	[tilespmem:$0xC080] =	vst v63  }
0xe2: {  	_ = 	snop  }
0xe3: {  	[tilespmem:s15], [sflag:$0x1] =	stream.indirect_vreg.gather [hbm4b:s5+s3], $0x80, v4, vm0, $0xb8;
	[tilespmem:$0xC080] =	vst v63  }
0xe4: {  	_ = 	snop  }
0xe5: {  	[tilespmem:s16], [sflag:$0x1] =	stream.indirect_vreg.gather [hbm4b:s1+s3], $0x80, v3, vm0, $0xb8;
	[tilespmem:$0xC080] =	vst v63  }
0xe6: {  	_ = 	snop  }
0xe7: {  	[tilespmem:s17], [sflag:$0x1] =	stream.indirect_vreg.gather [hbm4b:s4+s3], $0x80, v3, vm0, $0xb8;
	[tilespmem:$0xC080] =	vst v63  }
0xe8: {  	_ = 	snop  }
0xe9: {  	[tilespmem:s18], [sflag:$0x1] =	stream.indirect_vreg.gather [hbm4b:s5+s3], $0x80, v3, vm0, $0xb8;
	[tilespmem:$0xC080] =	vst v63  }
0xea: {  	v3 =	vld [tilespmem:$0x20];
	_ =	sdelay $0x4  }
0xeb: {  	v58 =	vshrl.u32 v3, $0x3  }
0xec: {  	v4 =	vmul.u32 $0x30, v58  }
0xed: {  	v3 =	vand.u32 $0x7, v3  }
0xee: {  	v3 =	vor.u32 v3, v4  }
0xef: {  	v4 =	vperm.xlane v3, v0;
	_ =	sdelay $0x1  }
0xf0: {  	v4 =	vadd.s32 v1, v4;
	_ =	sdelay $0x3  }
0xf1: {  	v3 =	vperm.xlane v3, v2  }
0xf2: {  	[tilespmem:s19], [sflag:$0x1] =	stream.indirect_vreg.gather [hbm4b:s1+s3], $0x80, v4, vm0, $0xb8;
	[tilespmem:$0xC080] =	vst v63  }
0xf3: {  	v3 =	vadd.s32 v1, v3  }
0xf4: {  	[tilespmem:s20], [sflag:$0x1] =	stream.indirect_vreg.gather [hbm4b:s4+s3], $0x80, v4, vm0, $0xb8;
	[tilespmem:$0xC080] =	vst v63  }
0xf5: {  	_ = 	snop  }
0xf6: {  	[tilespmem:s21], [sflag:$0x1] =	stream.indirect_vreg.gather [hbm4b:s5+s3], $0x80, v4, vm0, $0xb8;
	[tilespmem:$0xC080] =	vst v63  }
0xf7: {  	_ = 	snop  }
0xf8: {  	[tilespmem:s22], [sflag:$0x1] =	stream.indirect_vreg.gather [hbm4b:s1+s3], $0x80, v3, vm0, $0xb8;
	[tilespmem:$0xC080] =	vst v63  }
0xf9: {  	_ = 	snop  }
0xfa: {  	[tilespmem:s23], [sflag:$0x1] =	stream.indirect_vreg.gather [hbm4b:s4+s3], $0x80, v3, vm0, $0xb8;
	[tilespmem:$0xC080] =	vst v63  }
0xfb: {  	_ = 	snop  }
0xfc: {  	[tilespmem:s24], [sflag:$0x1] =	stream.indirect_vreg.gather [hbm4b:s5+s3], $0x80, v3, vm0, $0xb8;
	[tilespmem:$0xC080] =	vst v63  }
0xfd: {  	v3 =	vld [tilespmem:$0x30];
	_ =	sdelay $0x4  }
0xfe: {  	v59 =	vshrl.u32 v3, $0x3  }
0xff: {  	v4 =	vmul.u32 $0x30, v59  }
0x100: {  	v3 =	vand.u32 $0x7, v3  }
0x101: {  	v3 =	vor.u32 v3, v4  }
0x102: {  	v4 =	vperm.xlane v3, v0;
	_ =	sdelay $0x1  }
0x103: {  	v4 =	vadd.s32 v1, v4;
	_ =	sdelay $0x3  }
0x104: {  	v3 =	vperm.xlane v3, v2  }
0x105: {  	[tilespmem:s25], [sflag:$0x1] =	stream.indirect_vreg.gather [hbm4b:s1+s3], $0x80, v4, vm0, $0xb8;
	[tilespmem:$0xC080] =	vst v63  }
0x106: {  	v3 =	vadd.s32 v1, v3  }
0x107: {  	[tilespmem:s26], [sflag:$0x1] =	stream.indirect_vreg.gather [hbm4b:s4+s3], $0x80, v4, vm0, $0xb8;
	[tilespmem:$0xC080] =	vst v63  }
0x108: {  	_ = 	snop  }
0x109: {  	[tilespmem:s28], [sflag:$0x1] =	stream.indirect_vreg.gather [hbm4b:s5+s3], $0x80, v4, vm0, $0xb8;
	[tilespmem:$0xC080] =	vst v63  }
0x10a: {  	_ = 	snop  }
0x10b: {  	[tilespmem:s29], [sflag:$0x1] =	stream.indirect_vreg.gather [hbm4b:s1+s3], $0x80, v3, vm0, $0xb8;
	[tilespmem:$0xC080] =	vst v63  }
0x10c: {  	s30 =	simm.s32 $0xB080  }
0x10d: {  	[tilespmem:s30], [sflag:$0x1] =	stream.indirect_vreg.gather [hbm4b:s4+s3], $0x80, v3, vm0, $0xb8;
	[tilespmem:$0xC080] =	vst v63  }
0x10e: {  	s9 =	simm.s32 $0xB880  }
0x10f: {  	[tilespmem:s9], [sflag:$0x1] =	stream.indirect_vreg.gather [hbm4b:s5+s3], $0x80, v3, vm0, $0xb8;
	[tilespmem:$0xC080] =	vst v63  }
0x110: {  	_ =	swait.ge [sflag:s2], $0xC000  }
0x111: {  	[sflag:s2] =	ssyncset.done $0x0  }
0x112: {  	s9 =	rddreg [dreg:$0x8];
	[sflag:s2] =	ssyncadd.s32 $0xFFFF4000  }
0x113: {  	[hbm4b:s9+s3] =	stream.linear.scatter [tilespmem:s31], [sflag:$0x2], $0xC000, $0x38;
	[tilespmem:$0xC080] =	vst v63  }
0x114: {  	_ =	swait.ge [sflag:s7], $0xC000  }
0x115: {  	[sflag:s7] =	ssyncset.done $0x0  }
0x116: {  	s9 =	rddreg [dreg:$0x9];
	[sflag:s7] =	ssyncadd.s32 $0xFFFF4000  }
0x117: {  	[tilespmem:s3], [sflag:$0x2] =	stream.linear.gather [hbm4b:s9+s3], $0x40, $0x38;
	[tilespmem:$0xC080] =	vst v63  }
0x118: {  	_ =	swait.ge [sflag:s7], $0x40  }
0x119: {  	[sflag:s7] =	ssyncset.done $0x0  }
0x11a: {  	[sflag:s7] =	ssyncadd.s32 $0xFFFFFFC0  }
0x11b: {  	v3 =	vld [tilespmem:$0x0];
	_ =	sdelay $0x4  }
0x11c: {  	v60 =	vshrl.u32 v3, $0x3  }
0x11d: {  	v4 =	vmul.u32 $0x30, v60  }
0x11e: {  	v3 =	vand.u32 $0x7, v3  }
0x11f: {  	v3 =	vor.u32 v3, v4  }
0x120: {  	v4 =	vperm.xlane v3, v0;
	_ =	sdelay $0x1  }
0x121: {  	v4 =	vadd.s32 v1, v4;
	_ =	sdelay $0x3  }
0x122: {  	v3 =	vperm.xlane v3, v2  }
0x123: {  	[tilespmem:s31], [sflag:$0x1] =	stream.indirect_vreg.gather [hbm4b:s1+s3], $0x80, v4, vm0, $0xb8;
	[tilespmem:$0xC080] =	vst v63  }
0x124: {  	s0 =	simm.s32 $0x880;
	v3 =	vadd.s32 v1, v3  }
0x125: {  	[tilespmem:s0], [sflag:$0x1] =	stream.indirect_vreg.gather [hbm4b:s4+s3], $0x80, v4, vm0, $0xb8;
	[tilespmem:$0xC080] =	vst v63  }
0x126: {  	s8 =	simm.s32 $0x1080  }
0x127: {  	[tilespmem:s8], [sflag:$0x1] =	stream.indirect_vreg.gather [hbm4b:s5+s3], $0x80, v4, vm0, $0xb8;
	[tilespmem:$0xC080] =	vst v63  }
0x128: {  	s10 =	simm.s32 $0x1880  }
0x129: {  	[tilespmem:s10], [sflag:$0x1] =	stream.indirect_vreg.gather [hbm4b:s1+s3], $0x80, v3, vm0, $0xb8;
	[tilespmem:$0xC080] =	vst v63  }
0x12a: {  	s11 =	simm.s32 $0x2080  }
0x12b: {  	[tilespmem:s11], [sflag:$0x1] =	stream.indirect_vreg.gather [hbm4b:s4+s3], $0x80, v3, vm0, $0xb8;
	[tilespmem:$0xC080] =	vst v63  }
0x12c: {  	s12 =	simm.s32 $0x2880  }
0x12d: {  	[tilespmem:s12], [sflag:$0x1] =	stream.indirect_vreg.gather [hbm4b:s5+s3], $0x80, v3, vm0, $0xb8;
	[tilespmem:$0xC080] =	vst v63  }
0x12e: {  	v3 =	vld [tilespmem:$0x10];
	_ =	sdelay $0x4  }
0x12f: {  	v61 =	vshrl.u32 v3, $0x3  }
0x130: {  	v4 =	vmul.u32 $0x30, v61  }
0x131: {  	v3 =	vand.u32 $0x7, v3  }
0x132: {  	v3 =	vor.u32 v3, v4  }
0x133: {  	v4 =	vperm.xlane v3, v0;
	_ =	sdelay $0x1  }
0x134: {  	v4 =	vadd.s32 v1, v4;
	_ =	sdelay $0x3  }
0x135: {  	s13 =	simm.s32 $0x3080;
	v3 =	vperm.xlane v3, v2  }
0x136: {  	[tilespmem:s13], [sflag:$0x1] =	stream.indirect_vreg.gather [hbm4b:s1+s3], $0x80, v4, vm0, $0xb8;
	[tilespmem:$0xC080] =	vst v63  }
0x137: {  	s14 =	simm.s32 $0x3880;
	v3 =	vadd.s32 v1, v3  }
0x138: {  	[tilespmem:s14], [sflag:$0x1] =	stream.indirect_vreg.gather [hbm4b:s4+s3], $0x80, v4, vm0, $0xb8;
	[tilespmem:$0xC080] =	vst v63  }
0x139: {  	s15 =	simm.s32 $0x4080  }
0x13a: {  	[tilespmem:s15], [sflag:$0x1] =	stream.indirect_vreg.gather [hbm4b:s5+s3], $0x80, v4, vm0, $0xb8;
	[tilespmem:$0xC080] =	vst v63  }
0x13b: {  	s16 =	simm.s32 $0x4880  }
0x13c: {  	[tilespmem:s16], [sflag:$0x1] =	stream.indirect_vreg.gather [hbm4b:s1+s3], $0x80, v3, vm0, $0xb8;
	[tilespmem:$0xC080] =	vst v63  }
0x13d: {  	s17 =	simm.s32 $0x5080  }
0x13e: {  	[tilespmem:s17], [sflag:$0x1] =	stream.indirect_vreg.gather [hbm4b:s4+s3], $0x80, v3, vm0, $0xb8;
	[tilespmem:$0xC080] =	vst v63  }
0x13f: {  	s18 =	simm.s32 $0x5880  }
0x140: {  	[tilespmem:s18], [sflag:$0x1] =	stream.indirect_vreg.gather [hbm4b:s5+s3], $0x80, v3, vm0, $0xb8;
	[tilespmem:$0xC080] =	vst v63  }
0x141: {  	v3 =	vld [tilespmem:$0x20];
	_ =	sdelay $0x4  }
0x142: {  	v62 =	vshrl.u32 v3, $0x3  }
0x143: {  	v4 =	vmul.u32 $0x30, v62  }
0x144: {  	v3 =	vand.u32 $0x7, v3  }
0x145: {  	v3 =	vor.u32 v3, v4  }
0x146: {  	v4 =	vperm.xlane v3, v0;
	_ =	sdelay $0x1  }
0x147: {  	v4 =	vadd.s32 v1, v4;
	_ =	sdelay $0x3  }
0x148: {  	s19 =	simm.s32 $0x6080;
	v3 =	vperm.xlane v3, v2  }
0x149: {  	[tilespmem:s19], [sflag:$0x1] =	stream.indirect_vreg.gather [hbm4b:s1+s3], $0x80, v4, vm0, $0xb8;
	[tilespmem:$0xC080] =	vst v63  }
0x14a: {  	s20 =	simm.s32 $0x6880;
	v3 =	vadd.s32 v1, v3  }
0x14b: {  	[tilespmem:s20], [sflag:$0x1] =	stream.indirect_vreg.gather [hbm4b:s4+s3], $0x80, v4, vm0, $0xb8;
	[tilespmem:$0xC080] =	vst v63  }
0x14c: {  	s21 =	simm.s32 $0x7080  }
0x14d: {  	[tilespmem:s21], [sflag:$0x1] =	stream.indirect_vreg.gather [hbm4b:s5+s3], $0x80, v4, vm0, $0xb8;
	[tilespmem:$0xC080] =	vst v63  }
0x14e: {  	s22 =	simm.s32 $0x7880  }
0x14f: {  	[tilespmem:s22], [sflag:$0x1] =	stream.indirect_vreg.gather [hbm4b:s1+s3], $0x80, v3, vm0, $0xb8;
	[tilespmem:$0xC080] =	vst v63  }
0x150: {  	s23 =	simm.s32 $0x8080  }
0x151: {  	[tilespmem:s23], [sflag:$0x1] =	stream.indirect_vreg.gather [hbm4b:s4+s3], $0x80, v3, vm0, $0xb8;
	[tilespmem:$0xC080] =	vst v63  }
0x152: {  	s24 =	simm.s32 $0x8880  }
0x153: {  	[tilespmem:s24], [sflag:$0x1] =	stream.indirect_vreg.gather [hbm4b:s5+s3], $0x80, v3, vm0, $0xb8;
	[tilespmem:$0xC080] =	vst v63  }
0x154: {  	v3 =	vld [tilespmem:$0x30];
	_ =	sdelay $0x4  }
0x155: {  	v63 =	vshrl.u32 v3, $0x3  }
0x156: {  	v4 =	vmul.u32 $0x30, v63  }
0x157: {  	v3 =	vand.u32 $0x7, v3  }
0x158: {  	v3 =	vor.u32 v3, v4  }
0x159: {  	v4 =	vperm.xlane v3, v0;
	_ =	sdelay $0x1  }
0x15a: {  	v4 =	vadd.s32 v1, v4;
	_ =	sdelay $0x3  }
0x15b: {  	s25 =	simm.s32 $0x9080;
	v3 =	vperm.xlane v3, v2  }
0x15c: {  	[tilespmem:s25], [sflag:$0x1] =	stream.indirect_vreg.gather [hbm4b:s1+s3], $0x80, v4, vm0, $0xb8;
	[tilespmem:$0xC080] =	vst v63  }
0x15d: {  	s26 =	simm.s32 $0x9880;
	v3 =	vadd.s32 v1, v3  }
0x15e: {  	[tilespmem:s26], [sflag:$0x1] =	stream.indirect_vreg.gather [hbm4b:s4+s3], $0x80, v4, vm0, $0xb8;
	[tilespmem:$0xC080] =	vst v63  }
0x15f: {  	s28 =	simm.s32 $0xA080  }
0x160: {  	[tilespmem:s28], [sflag:$0x1] =	stream.indirect_vreg.gather [hbm4b:s5+s3], $0x80, v4, vm0, $0xb8;
	[tilespmem:$0xC080] =	vst v63  }
0x161: {  	s29 =	simm.s32 $0xA880  }
0x162: {  	[tilespmem:s29], [sflag:$0x1] =	stream.indirect_vreg.gather [hbm4b:s1+s3], $0x80, v3, vm0, $0xb8;
	[tilespmem:$0xC080] =	vst v63  }
0x163: {  	s30 =	simm.s32 $0xB080  }
0x164: {  	[tilespmem:s30], [sflag:$0x1] =	stream.indirect_vreg.gather [hbm4b:s4+s3], $0x80, v3, vm0, $0xb8;
	[tilespmem:$0xC080] =	vst v63  }
0x165: {  	s29 =	simm.s32 $0xB880  }
0x166: {  	[tilespmem:s29], [sflag:$0x1] =	stream.indirect_vreg.gather [hbm4b:s5+s3], $0x80, v3, vm0, $0xb8;
	[tilespmem:$0xC080] =	vst v63  }
0x167: {  	_ =	swait.ge [sflag:s2], $0xC000  }
0x168: {  	p0 =	sne.s32 s6, $0x1;
	[sflag:s2] =	ssyncset.done $0x0  }
.Ltmp0:
0x169: {  	s30 =	rddreg [dreg:$0xa];
	[sflag:s2] =	ssyncadd.s32 $0xFFFF4000;
	(pc) =	sbr.rel @p0 .LBB2_1-.Ltmp0, $4  }
0x16a: {  	[hbm4b:s30+s3] =	stream.linear.scatter [tilespmem:s31], [sflag:$0x2], $0xC000, $0x38;
	[tilespmem:$0xC080] =	vst v63  }
0x16b: {  	_ =	swait.ge [sflag:s7], $0xC000  }
0x16c: {  	[sflag:s7] =	ssyncset.done $0x0  }
0x16d: {  	s6 =	sadd.s32 $0xFFFFFFFF, s6;
	[sflag:s7] =	ssyncadd.s32 $0xFFFF4000  }
0x16e: {  	_ =	sfence.sel $0x180000  }
0x16f: {  	[bflag:$0x0] =	sbarrier.arrive $0xFFFF  }
0x170: {  	_ =	strace $0x90000047  }
0x171: {  	s0 =	stileid.u32;
	[bflag:$0x2] =	sbarrier.arrive $0xFFFF  }
0x172: {  	p0 =	sne.s32 s0, $0x0;
	s0 =	rddreg [dreg:$0x2]  }
0x173: {  	s0 =	sadd.s32 @!p0 $0x100000, s0  }
0x174: {  	[sflag:s0] =	ssyncadd.tile.s32 @!p0 $0x1;
	_ =	shalt  }
.Lfunc_end2:
_tile_overlayer_lowered:
.L_overlay_start_2:
0x175: {  	(tag) =	ssettag $0x2  }
0x176: {  	s0 =	rddreg [dreg:$0x0];
	s2 =	stileid.u32  }
0x177: {  	s1 =	rddreg [dreg:$0x1];
	p0 =	sne.s32 s2, $0x0  }
0x178: {  	s3 =	rddreg [dreg:$0x2];
	[bflag:$0x3] =	sbarrier.arrive $0xFFFF;
	s2 =	simm.s32 @!p0 $0x1C02  }
0x179: {  	[timem:s3], [sflag:s2] =	dma.local @!p0 [hbm:s0], s1  }
0x17a: {  	s0 =	simm.s32 @!p0 $0x2  }
0x17b: {  	_ =	swait.ge @!p0 [sflag:s0], s1  }
0x17c: {  	s1 =	ssub.s32 @!p0 $0x0, s1;
	[sflag:s0] =	ssyncset.done @!p0 $0x0  }
0x17d: {  	[sflag:s0] =	ssyncadd.s32 @!p0 s1  }
0x17e: {  	[bflag:$0x3] =	sbarrier.arrive $0xFFFF  }
0x17f: {  	_ =	shalt  }

</sc_bundles>
